<compile_context>
chip_gen: v7x
topology: tpu7x:2x2x1
jax: 0.10.2.dev20260603
libtpu: 0.0.44.dev20260713+nightly
codegen_flags: <defaults>
</compile_context>

<pallas_src>
import functools

import jax
import jax.numpy as jnp
from jax import lax
from jax.experimental import pallas as pl
from jax.experimental.pallas import tpu as pltpu
from jax.experimental.pallas import tpu_sc as plsc

N = 10000
D = 128
E = 320000
NEG = 0.2

NC = 2
NS = 16
NW = NC * NS
K = 64
NCHUNK = 160
EP = NW * K * NCHUNK
NP = 10112
PN = NP
RPT = NP // NS


def _attn_tail(h, asrc, adst):
    p = jnp.sum(h * asrc, axis=1)
    q = jnp.sum(h * adst, axis=1)
    t = p[:N] + q[:N]
    w0 = jnp.exp(jnp.where(t >= 0.0, t, NEG * t))
    return p, q, w0


def _pre_body(x_ref, w_ref, asrc_ref, adst_ref,
              h_ref, p_ref, q_ref, n0_ref, d0_ref):
    h = jnp.dot(x_ref[...], w_ref[...], preferred_element_type=jnp.float32)
    hp = jnp.concatenate([h, jnp.zeros((PN - N, D), jnp.float32)], axis=0)
    p, q, w0 = _attn_tail(hp, asrc_ref[...], adst_ref[...])
    h_ref[...] = hp
    p_ref[...] = p
    q_ref[...] = q
    n0_ref[...] = h * w0[:, None]
    d0_ref[...] = w0


def _mid_body(n0_ref, pa_ref, pb_ref, d0_ref, da_ref, db_ref, b_ref,
              w_ref, asrc_ref, adst_ref,
              h_ref, p_ref, q_ref, n0o_ref, d0o_ref):
    den = d0_ref[...] + da_ref[...] + db_ref[...] + 1e-16
    xr = (n0_ref[...] + pa_ref[...] + pb_ref[...]) / den[:, None] + b_ref[...]
    xr = jnp.maximum(xr, 0.0)
    h = jnp.dot(xr, w_ref[...], preferred_element_type=jnp.float32)
    hp = jnp.concatenate([h, jnp.zeros((PN - N, D), jnp.float32)], axis=0)
    p, q, w0 = _attn_tail(hp, asrc_ref[...], adst_ref[...])
    h_ref[...] = hp
    p_ref[...] = p
    q_ref[...] = q
    n0o_ref[...] = h * w0[:, None]
    d0o_ref[...] = w0


def _fin_body(n0_ref, pa_ref, pb_ref, d0_ref, da_ref, db_ref, b_ref, out_ref):
    den = d0_ref[...] + da_ref[...] + db_ref[...] + 1e-16
    out_ref[...] = (n0_ref[...] + pa_ref[...] + pb_ref[...]) / den[:, None] \
        + b_ref[...]


_OUT_MATP = jax.ShapeDtypeStruct((PN, D), jnp.float32)
_OUT_VECP = jax.ShapeDtypeStruct((PN,), jnp.float32)
_OUT_MAT = jax.ShapeDtypeStruct((N, D), jnp.float32)
_OUT_VEC = jax.ShapeDtypeStruct((N,), jnp.float32)


def _tc_pre(x, W, a_src, a_dst):
    return pl.pallas_call(
        _pre_body,
        out_shape=[_OUT_MATP, _OUT_VECP, _OUT_VECP, _OUT_MAT, _OUT_VEC],
    )(x, W, a_src.reshape(1, D), a_dst.reshape(1, D))


def _tc_mid(n0, pa, pb, d0, da, db, b, W, a_src, a_dst):
    return pl.pallas_call(
        _mid_body,
        out_shape=[_OUT_MATP, _OUT_VECP, _OUT_VECP, _OUT_MAT, _OUT_VEC],
    )(n0, pa, pb, d0, da, db, b.reshape(1, D), W,
      a_src.reshape(1, D), a_dst.reshape(1, D))


def _tc_fin(n0, pa, pb, d0, da, db, b):
    return pl.pallas_call(
        _fin_body,
        out_shape=_OUT_MAT,
    )(n0, pa, pb, d0, da, db, b.reshape(1, D))


_MESH = plsc.VectorSubcoreMesh(
    core_axis_name="c", subcore_axis_name="s", num_cores=NC, num_subcores=NS)


@functools.partial(
    pl.kernel,
    out_type=[jax.ShapeDtypeStruct((NC * NP, D), jnp.float32),
              jax.ShapeDtypeStruct((NC * NP,), jnp.float32)],
    mesh=_MESH,
    compiler_params=pltpu.CompilerParams(needs_layout_passes=False),
    scratch_types=[
        pltpu.VMEM((PN,), jnp.float32),
        pltpu.VMEM((PN,), jnp.float32),
        pltpu.VMEM((K, D), jnp.float32),
        pltpu.VMEM((K, D), jnp.float32),
        pltpu.VMEM((K,), jnp.int32),
        pltpu.VMEM((K,), jnp.int32),
        pltpu.VMEM((K,), jnp.int32),
        pltpu.VMEM((K,), jnp.int32),
        pltpu.VMEM((K,), jnp.float32),
        pltpu.VMEM((K,), jnp.float32),
        pltpu.VMEM_SHARED((NP, D), jnp.float32),
        pltpu.VMEM_SHARED((NP,), jnp.float32),
        pltpu.SemaphoreType.DMA,
        pltpu.SemaphoreType.DMA,
        pltpu.SemaphoreType.DMA,
        pltpu.SemaphoreType.DMA,
        pltpu.SemaphoreType.DMA,
        pltpu.SemaphoreType.DMA,
        pltpu.SemaphoreType.DMA,
        pltpu.SemaphoreType.DMA,
        pltpu.SemaphoreType.DMA,
        pltpu.SemaphoreType.DMA,
        pltpu.SemaphoreType.DMA,
        pltpu.SemaphoreType.DMA,
    ],
)
def _sc_edge(srcA_hbm, srcB_hbm, dstA_hbm, dstB_hbm, h_hbm, p_hbm, q_hbm,
             z_hbm, zn_hbm, parts_hbm, dparts_hbm,
             p_loc, q_loc, rows0, rows1, src_c0, src_c1, dst_c0, dst_c1,
             w_c0, w_c1, numer_sh, den_sh, semr0, semr1, semsrc0, semsrc1,
             semi0, semi1, sems0, sems1, semd0, semd1, semz, semzn):
    c = lax.axis_index("c")
    s = lax.axis_index("s")
    wid = c * NS + s

    pltpu.async_copy(z_hbm.at[pl.ds(s * RPT, RPT)],
                     numer_sh.at[pl.ds(s * RPT, RPT)], semz)
    @pl.when(s == 0)
    def _():
        pltpu.async_copy(zn_hbm, den_sh, semzn)
    pltpu.sync_copy(p_hbm, p_loc)
    pltpu.sync_copy(q_hbm, q_loc)

    def idx_view(arrA, arrB, ci, odd):
        g = (wid * NCHUNK + ci) * K
        if odd:
            return arrB.at[pl.ds(g - K, K)]
        return arrA.at[pl.ds(g, K)]

    def fetch_src(ci, odd, src_c, semsrc):
        pltpu.async_copy(idx_view(srcA_hbm, srcB_hbm, ci, odd), src_c,
                         semsrc)

    def fetch_dst(ci, odd, dst_c, semi):
        pltpu.async_copy(idx_view(dstA_hbm, dstB_hbm, ci, odd), dst_c, semi)

    def start_gather(ci, odd, rows, src_c, semr, semsrc):
        pltpu.make_async_copy(idx_view(srcA_hbm, srcB_hbm, ci, odd), src_c,
                              semsrc).wait()
        pltpu.async_copy(h_hbm.at[src_c], rows, semr)

    def work_chunk(ci, odd, rows, src_c, dst_c, w_c,
                   semr, semsrc, semi, sems, semd):
        pltpu.make_async_copy(idx_view(dstA_hbm, dstB_hbm, ci, odd), dst_c,
                              semi).wait()

        def w_body(j, carry):
            sv = src_c[pl.ds(j * 16, 16)]
            dv = dst_c[pl.ds(j * 16, 16)]
            tt = plsc.load_gather(p_loc, [sv]) + plsc.load_gather(q_loc, [dv])
            tt = jnp.where(tt >= 0.0, tt, NEG * tt)
            w_c[pl.ds(j * 16, 16)] = jnp.exp(tt)
            return carry
        lax.fori_loop(0, K // 16, w_body, 0)

        pltpu.make_async_copy(h_hbm.at[src_c], rows, semr).wait()

        @pl.when(ci + 2 < NCHUNK)
        def _():
            fetch_src(ci + 2, odd, src_c, semsrc)

        def r_body(e, carry):
            wb = plsc.load_gather(w_c, [jnp.full((16,), e, jnp.int32)])
            for j in range(D // 16):
                rows[e, pl.ds(j * 16, 16)] = rows[e, pl.ds(j * 16, 16)] * wb
            return carry
        lax.fori_loop(0, K, r_body, 0)

        pltpu.async_copy(rows, numer_sh.at[dst_c], sems, add=True)
        pltpu.async_copy(w_c, den_sh.at[dst_c], semd, add=True)

    def drain_chunk(rows, dst_c, w_c, sems, semd):
        pltpu.make_async_copy(rows, numer_sh.at[dst_c], sems).wait()
        pltpu.make_async_copy(w_c, den_sh.at[dst_c], semd).wait()

    fetch_src(0, False, src_c0, semsrc0)
    fetch_dst(0, False, dst_c0, semi0)
    fetch_src(1, True, src_c1, semsrc1)
    fetch_dst(1, True, dst_c1, semi1)
    start_gather(0, False, rows0, src_c0, semr0, semsrc0)
    start_gather(1, True, rows1, src_c1, semr1, semsrc1)

    pltpu.make_async_copy(z_hbm.at[pl.ds(s * RPT, RPT)],
                          numer_sh.at[pl.ds(s * RPT, RPT)], semz).wait()
    @pl.when(s == 0)
    def _():
        pltpu.make_async_copy(zn_hbm, den_sh, semzn).wait()
    plsc.subcore_barrier()

    def pipe_body(i, carry):
        ci = 2 * i
        work_chunk(ci, False, rows0, src_c0, dst_c0, w_c0,
                   semr0, semsrc0, semi0, sems0, semd0)
        work_chunk(ci + 1, True, rows1, src_c1, dst_c1, w_c1,
                   semr1, semsrc1, semi1, sems1, semd1)
        drain_chunk(rows0, dst_c0, w_c0, sems0, semd0)
        @pl.when(ci + 2 < NCHUNK)
        def _():
            fetch_dst(ci + 2, False, dst_c0, semi0)
            start_gather(ci + 2, False, rows0, src_c0, semr0, semsrc0)
        drain_chunk(rows1, dst_c1, w_c1, sems1, semd1)
        @pl.when(ci + 3 < NCHUNK)
        def _():
            fetch_dst(ci + 3, True, dst_c1, semi1)
            start_gather(ci + 3, True, rows1, src_c1, semr1, semsrc1)
        return carry
    lax.fori_loop(0, NCHUNK // 2, pipe_body, 0)

    plsc.subcore_barrier()
    pltpu.sync_copy(numer_sh.at[pl.ds(s * RPT, RPT)],
                    parts_hbm.at[pl.ds(c * NP + s * RPT, RPT)])
    @pl.when(s == 0)
    def _():
        pltpu.sync_copy(den_sh, dparts_hbm.at[pl.ds(c * NP, NP)])


def kernel(x, edge_index, W1, a_src1, a_dst1, b1, W2, a_src2, a_dst2, b2):
    pad = jnp.full((EP - E,), N, jnp.int32)
    padK = jnp.full((K,), N, jnp.int32)
    padd = N + jnp.arange(EP - E, dtype=jnp.int32) % (NP - N)
    srcA = jnp.concatenate([edge_index[0], pad])
    srcB = jnp.concatenate([srcA[K:], padK])
    dstA = jnp.concatenate([edge_index[1], padd])
    dstB = jnp.concatenate([dstA[K:], padK])
    zrow = jnp.zeros((NP, D), jnp.float32)
    zn = jnp.zeros((NP,), jnp.float32)

    h1, p1, q1, n01, d01 = _tc_pre(x, W1, a_src1, a_dst1)
    parts1, dparts1 = _sc_edge(srcA, srcB, dstA, dstB, h1, p1, q1, zrow, zn)
    h2, p2, q2, n02, d02 = _tc_mid(
        n01, parts1[:N], parts1[NP:NP + N], d01, dparts1[:N],
        dparts1[NP:NP + N], b1, W2, a_src2, a_dst2)
    parts2, dparts2 = _sc_edge(srcA, srcB, dstA, dstB, h2, p2, q2, zrow, zn)
    out = _tc_fin(n02, parts2[:N], parts2[NP:NP + N], d02, dparts2[:N],
                  dparts2[NP:NP + N], b2)
    return out

# --- scband reference (transcript-rebuilt; emitter-appended) ---
"""Pipeline reference for scband-gatlink-predictor-36464272343627 (READ-ONLY COPY).

The authoritative reference and input builder live on the scoring server;
editing this copy changes nothing except your own understanding.
"""

import jax, jax.numpy as jnp
import numpy as np

N = 10000
E = 320000
D_IN = 128
D_OUT = 128
NEG_SLOPE = 0.2


def gat_conv(x, edge_index, W, a_src, a_dst, b):
    n = x.shape[0]
    # PyG GATConv default: add self loops
    loop = jnp.arange(n, dtype=edge_index.dtype)
    src = jnp.concatenate([edge_index[0], loop])
    dst = jnp.concatenate([edge_index[1], loop])
    h = x @ W  # [N, D_OUT]
    alpha_src = (h * a_src).sum(-1)  # [N]
    alpha_dst = (h * a_dst).sum(-1)  # [N]
    e = alpha_src[src] + alpha_dst[dst]  # [E+N]
    e = jax.nn.leaky_relu(e, NEG_SLOPE)
    # softmax over edges grouped by dst node
    emax = jax.ops.segment_max(e, dst, num_segments=n)
    ee = jnp.exp(e - emax[dst])
    denom = jax.ops.segment_sum(ee, dst, num_segments=n)
    alpha = ee / (denom[dst] + 1e-16)
    out = jax.ops.segment_sum(alpha[:, None] * h[src], dst, num_segments=n)
    return out + b


def setup_inputs(seed: int = 0):
    key = jax.random.key(seed)
    ks = jax.random.split(key, 10)
    x = jax.random.normal(ks[0], (N, D_IN), dtype=jnp.float32)
    edge_index = jax.random.randint(ks[1], (2, E), 0, N, dtype=jnp.int32)
    s1 = float(np.sqrt(1.0 / D_IN))
    s2 = float(np.sqrt(1.0 / D_OUT))
    W1 = jax.random.normal(ks[2], (D_IN, D_OUT), dtype=jnp.float32) * s1
    a_src1 = jax.random.normal(ks[3], (D_OUT,), dtype=jnp.float32) * s2
    a_dst1 = jax.random.normal(ks[4], (D_OUT,), dtype=jnp.float32) * s2
    b1 = jnp.zeros((D_OUT,), dtype=jnp.float32)
    W2 = jax.random.normal(ks[5], (D_OUT, D_OUT), dtype=jnp.float32) * s2
    a_src2 = jax.random.normal(ks[6], (D_OUT,), dtype=jnp.float32) * s2
    a_dst2 = jax.random.normal(ks[7], (D_OUT,), dtype=jnp.float32) * s2
    b2 = jnp.zeros((D_OUT,), dtype=jnp.float32)
    return {"x": x, "edge_index": edge_index, "W1": W1, "a_src1": a_src1,
            "a_dst1": a_dst1, "b1": b1, "W2": W2, "a_src2": a_src2,
            "a_dst2": a_dst2, "b2": b2}


def reference(x, edge_index, W1, a_src1, a_dst1, b1, W2, a_src2, a_dst2, b2):
    h = gat_conv(x, edge_index, W1, a_src1, a_dst1, b1)
    h = jax.nn.relu(h)
    out = gat_conv(h, edge_index, W2, a_src2, a_dst2, b2)
    return out

if __name__ == "__main__":
    import jax
    _d = setup_inputs()
    print(jax.jit(kernel)(*tuple(_d.values())))

</pallas_src>

<mosaic_0001>
#map = affine_map<(d0, d1) -> (0)>
#map1 = affine_map<(d0, d1) -> (0, 0)>
module attributes {stable_mosaic.version = 14 : i64} {
  func.func @_sc_edge(%arg0: i32, %arg1: i32, %arg2: memref<327680xi32, #tpu.memory_space<hbm>>, %arg3: memref<327680xi32, #tpu.memory_space<hbm>>, %arg4: memref<327680xi32, #tpu.memory_space<hbm>>, %arg5: memref<327680xi32, #tpu.memory_space<hbm>>, %arg6: memref<10112x128xf32, #tpu.memory_space<hbm>>, %arg7: memref<10112xf32, #tpu.memory_space<hbm>>, %arg8: memref<10112xf32, #tpu.memory_space<hbm>>, %arg9: memref<10112x128xf32, #tpu.memory_space<hbm>>, %arg10: memref<10112xf32, #tpu.memory_space<hbm>>, %arg11: memref<20224x128xf32, #tpu.memory_space<hbm>>, %arg12: memref<20224xf32, #tpu.memory_space<hbm>>, %arg13: memref<10112xf32, #tpu.memory_space<vmem>>, %arg14: memref<10112xf32, #tpu.memory_space<vmem>>, %arg15: memref<64x128xf32, #tpu.memory_space<vmem>>, %arg16: memref<64x128xf32, #tpu.memory_space<vmem>>, %arg17: memref<64xi32, #tpu.memory_space<vmem>>, %arg18: memref<64xi32, #tpu.memory_space<vmem>>, %arg19: memref<64xi32, #tpu.memory_space<vmem>>, %arg20: memref<64xi32, #tpu.memory_space<vmem>>, %arg21: memref<64xf32, #tpu.memory_space<vmem>>, %arg22: memref<64xf32, #tpu.memory_space<vmem>>, %arg23: memref<10112x128xf32, #tpu.memory_space<vmem_shared>>, %arg24: memref<10112xf32, #tpu.memory_space<vmem_shared>>, %arg25: memref<!tpu.dma_semaphore, #tpu.memory_space<semaphore_mem>>, %arg26: memref<!tpu.dma_semaphore, #tpu.memory_space<semaphore_mem>>, %arg27: memref<!tpu.dma_semaphore, #tpu.memory_space<semaphore_mem>>, %arg28: memref<!tpu.dma_semaphore, #tpu.memory_space<semaphore_mem>>, %arg29: memref<!tpu.dma_semaphore, #tpu.memory_space<semaphore_mem>>, %arg30: memref<!tpu.dma_semaphore, #tpu.memory_space<semaphore_mem>>, %arg31: memref<!tpu.dma_semaphore, #tpu.memory_space<semaphore_mem>>, %arg32: memref<!tpu.dma_semaphore, #tpu.memory_space<semaphore_mem>>, %arg33: memref<!tpu.dma_semaphore, #tpu.memory_space<semaphore_mem>>, %arg34: memref<!tpu.dma_semaphore, #tpu.memory_space<semaphore_mem>>, %arg35: memref<!tpu.dma_semaphore, #tpu.memory_space<semaphore_mem>>, %arg36: memref<!tpu.dma_semaphore, #tpu.memory_space<semaphore_mem>>) attributes {dimension_semantics = [#tpu.dimension_semantics<core_parallel>, #tpu.dimension_semantics<subcore_parallel>], iteration_bounds = array<i64: 2, 16>, scalar_prefetch = 0 : i64, scratch_operands = 24 : i64, tpu.core_type = #tpu.core_type<sc_vector_subcore>, window_params = [{transform_indices = #map}, {transform_indices = #map}, {transform_indices = #map}, {transform_indices = #map}, {transform_indices = #map1}, {transform_indices = #map}, {transform_indices = #map}, {transform_indices = #map1}, {transform_indices = #map}, {transform_indices = #map1}, {transform_indices = #map}]} {
    %mul3A = arith.constant 16 : i32
    %mul3A_0 = arith.muli %arg0, %mul3A : i32
    %add3A = arith.addi %mul3A_0, %arg1 : i32
    %mul3A_1 = arith.constant 632 : i32
    %mul3A_2 = arith.muli %arg1, %mul3A_1 : i32
    %mul3A_3 = arith.constant 632 : i32
    %mul3A_4 = arith.muli %arg1, %mul3A_3 : i32
    %dma_start3A = arith.constant 0 : i32
    %dma_start3A_5 = tpu.memref_slice %arg23[%mul3A_4, %dma_start3A] : memref<10112x128xf32, #tpu.memory_space<vmem_shared>> -> memref<632x128xf32, #tpu.memory_space<vmem_shared>>
    %dma_start3A_6 = arith.constant 0 : i32
    %dma_start3A_7 = tpu.memref_slice %arg9[%mul3A_2, %dma_start3A_6] : memref<10112x128xf32, #tpu.memory_space<hbm>> -> memref<632x128xf32, #tpu.memory_space<hbm>>
    tpu.enqueue_dma source(%dma_start3A_7 : memref<632x128xf32, #tpu.memory_space<hbm>>) target(%dma_start3A_5 : memref<632x128xf32, #tpu.memory_space<vmem_shared>>) target_semaphore(%arg35 : memref<!tpu.dma_semaphore, #tpu.memory_space<semaphore_mem>>)
    %eq3A = arith.constant 0 : i32
    %eq3A_8 = arith.cmpi eq, %arg1, %eq3A : i32
    %convert_element_type3A = arith.extui %eq3A_8 : i1 to i32
    %cond3A = arith.constant 0 : i32
    %cond3A_9 = arith.cmpi ne, %convert_element_type3A, %cond3A : i32
    scf.if %cond3A_9 {
      tpu.enqueue_dma source(%arg10 : memref<10112xf32, #tpu.memory_space<hbm>>) target(%arg24 : memref<10112xf32, #tpu.memory_space<vmem_shared>>) target_semaphore(%arg36 : memref<!tpu.dma_semaphore, #tpu.memory_space<semaphore_mem>>)
    } else {
    }
    "tpu.region"() ({
      %run_scoped3A = tpu.sem_alloc : memref<!tpu.dma_semaphore, #tpu.memory_space<semaphore_mem>>
      tpu.enqueue_dma source(%arg7 : memref<10112xf32, #tpu.memory_space<hbm>>) target(%arg13 : memref<10112xf32, #tpu.memory_space<vmem>>) target_semaphore(%run_scoped3A : memref<!tpu.dma_semaphore, #tpu.memory_space<semaphore_mem>>)
      tpu.wait_dma2 semaphore(%run_scoped3A : memref<!tpu.dma_semaphore, #tpu.memory_space<semaphore_mem>>) src(%arg7 : memref<10112xf32, #tpu.memory_space<hbm>>) dst(%arg13 : memref<10112xf32, #tpu.memory_space<vmem>>)
      tpu.yield
    }) : () -> ()
    "tpu.region"() ({
      %run_scoped3A = tpu.sem_alloc : memref<!tpu.dma_semaphore, #tpu.memory_space<semaphore_mem>>
      tpu.enqueue_dma source(%arg8 : memref<10112xf32, #tpu.memory_space<hbm>>) target(%arg14 : memref<10112xf32, #tpu.memory_space<vmem>>) target_semaphore(%run_scoped3A : memref<!tpu.dma_semaphore, #tpu.memory_space<semaphore_mem>>)
      tpu.wait_dma2 semaphore(%run_scoped3A : memref<!tpu.dma_semaphore, #tpu.memory_space<semaphore_mem>>) src(%arg8 : memref<10112xf32, #tpu.memory_space<hbm>>) dst(%arg14 : memref<10112xf32, #tpu.memory_space<vmem>>)
      tpu.yield
    }) : () -> ()
    %mul3A_10 = arith.constant 160 : i32
    %mul3A_11 = arith.muli %add3A, %mul3A_10 : i32
    %add3A_12 = arith.constant 0 : i32
    %add3A_13 = arith.addi %mul3A_11, %add3A_12 : i32
    %mul3A_14 = arith.constant 64 : i32
    %mul3A_15 = arith.muli %add3A_13, %mul3A_14 : i32
    %dma_start3A_16 = tpu.memref_slice %arg2[%mul3A_15] : memref<327680xi32, #tpu.memory_space<hbm>> -> memref<64xi32, #tpu.memory_space<hbm>>
    %dma_start3A_17 = tpu.memref_slice %arg2[%mul3A_15] : memref<327680xi32, #tpu.memory_space<hbm>> -> memref<64xi32, #tpu.memory_space<hbm>>
    tpu.enqueue_dma source(%dma_start3A_17 : memref<64xi32, #tpu.memory_space<hbm>>) target(%arg17 : memref<64xi32, #tpu.memory_space<vmem>>) target_semaphore(%arg27 : memref<!tpu.dma_semaphore, #tpu.memory_space<semaphore_mem>>)
    %mul3A_18 = arith.constant 160 : i32
    %mul3A_19 = arith.muli %add3A, %mul3A_18 : i32
    %add3A_20 = arith.constant 0 : i32
    %add3A_21 = arith.addi %mul3A_19, %add3A_20 : i32
    %mul3A_22 = arith.constant 64 : i32
    %mul3A_23 = arith.muli %add3A_21, %mul3A_22 : i32
    %dma_start3A_24 = tpu.memref_slice %arg4[%mul3A_23] : memref<327680xi32, #tpu.memory_space<hbm>> -> memref<64xi32, #tpu.memory_space<hbm>>
    %dma_start3A_25 = tpu.memref_slice %arg4[%mul3A_23] : memref<327680xi32, #tpu.memory_space<hbm>> -> memref<64xi32, #tpu.memory_space<hbm>>
    tpu.enqueue_dma source(%dma_start3A_25 : memref<64xi32, #tpu.memory_space<hbm>>) target(%arg19 : memref<64xi32, #tpu.memory_space<vmem>>) target_semaphore(%arg29 : memref<!tpu.dma_semaphore, #tpu.memory_space<semaphore_mem>>)
    %mul3A_26 = arith.constant 160 : i32
    %mul3A_27 = arith.muli %add3A, %mul3A_26 : i32
    %add3A_28 = arith.constant 1 : i32
    %add3A_29 = arith.addi %mul3A_27, %add3A_28 : i32
    %mul3A_30 = arith.constant 64 : i32
    %mul3A_31 = arith.muli %add3A_29, %mul3A_30 : i32
    %sub3A = arith.constant 64 : i32
    %sub3A_32 = arith.subi %mul3A_31, %sub3A : i32
    %dma_start3A_33 = tpu.memref_slice %arg3[%sub3A_32] : memref<327680xi32, #tpu.memory_space<hbm>> -> memref<64xi32, #tpu.memory_space<hbm>>
    %dma_start3A_34 = tpu.memref_slice %arg3[%sub3A_32] : memref<327680xi32, #tpu.memory_space<hbm>> -> memref<64xi32, #tpu.memory_space<hbm>>
    tpu.enqueue_dma source(%dma_start3A_34 : memref<64xi32, #tpu.memory_space<hbm>>) target(%arg18 : memref<64xi32, #tpu.memory_space<vmem>>) target_semaphore(%arg28 : memref<!tpu.dma_semaphore, #tpu.memory_space<semaphore_mem>>)
    %mul3A_35 = arith.constant 160 : i32
    %mul3A_36 = arith.muli %add3A, %mul3A_35 : i32
    %add3A_37 = arith.constant 1 : i32
    %add3A_38 = arith.addi %mul3A_36, %add3A_37 : i32
    %mul3A_39 = arith.constant 64 : i32
    %mul3A_40 = arith.muli %add3A_38, %mul3A_39 : i32
    %sub3A_41 = arith.constant 64 : i32
    %sub3A_42 = arith.subi %mul3A_40, %sub3A_41 : i32
    %dma_start3A_43 = tpu.memref_slice %arg5[%sub3A_42] : memref<327680xi32, #tpu.memory_space<hbm>> -> memref<64xi32, #tpu.memory_space<hbm>>
    %dma_start3A_44 = tpu.memref_slice %arg5[%sub3A_42] : memref<327680xi32, #tpu.memory_space<hbm>> -> memref<64xi32, #tpu.memory_space<hbm>>
    tpu.enqueue_dma source(%dma_start3A_44 : memref<64xi32, #tpu.memory_space<hbm>>) target(%arg20 : memref<64xi32, #tpu.memory_space<vmem>>) target_semaphore(%arg30 : memref<!tpu.dma_semaphore, #tpu.memory_space<semaphore_mem>>)
    %mul3A_45 = arith.constant 160 : i32
    %mul3A_46 = arith.muli %add3A, %mul3A_45 : i32
    %add3A_47 = arith.constant 0 : i32
    %add3A_48 = arith.addi %mul3A_46, %add3A_47 : i32
    %mul3A_49 = arith.constant 64 : i32
    %mul3A_50 = arith.muli %add3A_48, %mul3A_49 : i32
    %dma_wait3A = tpu.memref_slice %arg2[%mul3A_50] : memref<327680xi32, #tpu.memory_space<hbm>> -> memref<64xi32, #tpu.memory_space<hbm>>
    %dma_wait3A_51 = tpu.memref_slice %arg2[%mul3A_50] : memref<327680xi32, #tpu.memory_space<hbm>> -> memref<64xi32, #tpu.memory_space<hbm>>
    tpu.wait_dma2 semaphore(%arg27 : memref<!tpu.dma_semaphore, #tpu.memory_space<semaphore_mem>>) src(%dma_wait3A_51 : memref<64xi32, #tpu.memory_space<hbm>>) dst(%arg17 : memref<64xi32, #tpu.memory_space<vmem>>)
    %dma_start3A_52 = arith.constant 0 : i32
    %dma_start3A_53 = arith.constant 0 : i32
    %dma_start3A_54 = tpu.memref_slice %arg6[%dma_start3A_52, %dma_start3A_53] : memref<10112x128xf32, #tpu.memory_space<hbm>> -> memref<10112x128xf32, #tpu.memory_space<hbm>>
    tpu.enqueue_indirect_dma source(%dma_start3A_54 : memref<10112x128xf32, #tpu.memory_space<hbm>>) target(%arg15 : memref<64x128xf32, #tpu.memory_space<vmem>>) offsets(%arg17 : memref<64xi32, #tpu.memory_space<vmem>>) semaphore(%arg25 : memref<!tpu.dma_semaphore, #tpu.memory_space<semaphore_mem>>)
    %mul3A_55 = arith.constant 160 : i32
    %mul3A_56 = arith.muli %add3A, %mul3A_55 : i32
    %add3A_57 = arith.constant 1 : i32
    %add3A_58 = arith.addi %mul3A_56, %add3A_57 : i32
    %mul3A_59 = arith.constant 64 : i32
    %mul3A_60 = arith.muli %add3A_58, %mul3A_59 : i32
    %sub3A_61 = arith.constant 64 : i32
    %sub3A_62 = arith.subi %mul3A_60, %sub3A_61 : i32
    %dma_wait3A_63 = tpu.memref_slice %arg3[%sub3A_62] : memref<327680xi32, #tpu.memory_space<hbm>> -> memref<64xi32, #tpu.memory_space<hbm>>
    %dma_wait3A_64 = tpu.memref_slice %arg3[%sub3A_62] : memref<327680xi32, #tpu.memory_space<hbm>> -> memref<64xi32, #tpu.memory_space<hbm>>
    tpu.wait_dma2 semaphore(%arg28 : memref<!tpu.dma_semaphore, #tpu.memory_space<semaphore_mem>>) src(%dma_wait3A_64 : memref<64xi32, #tpu.memory_space<hbm>>) dst(%arg18 : memref<64xi32, #tpu.memory_space<vmem>>)
    %dma_start3A_65 = arith.constant 0 : i32
    %dma_start3A_66 = arith.constant 0 : i32
    %dma_start3A_67 = tpu.memref_slice %arg6[%dma_start3A_65, %dma_start3A_66] : memref<10112x128xf32, #tpu.memory_space<hbm>> -> memref<10112x128xf32, #tpu.memory_space<hbm>>
    tpu.enqueue_indirect_dma source(%dma_start3A_67 : memref<10112x128xf32, #tpu.memory_space<hbm>>) target(%arg16 : memref<64x128xf32, #tpu.memory_space<vmem>>) offsets(%arg18 : memref<64xi32, #tpu.memory_space<vmem>>) semaphore(%arg26 : memref<!tpu.dma_semaphore, #tpu.memory_space<semaphore_mem>>)
    %mul3A_68 = arith.constant 632 : i32
    %mul3A_69 = arith.muli %arg1, %mul3A_68 : i32
    %mul3A_70 = arith.constant 632 : i32
    %mul3A_71 = arith.muli %arg1, %mul3A_70 : i32
    %dma_wait3A_72 = arith.constant 0 : i32
    %dma_wait3A_73 = tpu.memref_slice %arg23[%mul3A_71, %dma_wait3A_72] : memref<10112x128xf32, #tpu.memory_space<vmem_shared>> -> memref<632x128xf32, #tpu.memory_space<vmem_shared>>
    %dma_wait3A_74 = arith.constant 0 : i32
    %dma_wait3A_75 = tpu.memref_slice %arg9[%mul3A_69, %dma_wait3A_74] : memref<10112x128xf32, #tpu.memory_space<hbm>> -> memref<632x128xf32, #tpu.memory_space<hbm>>
    tpu.wait_dma2 semaphore(%arg35 : memref<!tpu.dma_semaphore, #tpu.memory_space<semaphore_mem>>) src(%dma_wait3A_75 : memref<632x128xf32, #tpu.memory_space<hbm>>) dst(%dma_wait3A_73 : memref<632x128xf32, #tpu.memory_space<vmem_shared>>)
    %eq3A_76 = arith.constant 0 : i32
    %eq3A_77 = arith.cmpi eq, %arg1, %eq3A_76 : i32
    %convert_element_type3A_78 = arith.extui %eq3A_77 : i1 to i32
    %cond3A_79 = arith.constant 0 : i32
    %cond3A_80 = arith.cmpi ne, %convert_element_type3A_78, %cond3A_79 : i32
    scf.if %cond3A_80 {
      tpu.wait_dma2 semaphore(%arg36 : memref<!tpu.dma_semaphore, #tpu.memory_space<semaphore_mem>>) src(%arg10 : memref<10112xf32, #tpu.memory_space<hbm>>) dst(%arg24 : memref<10112xf32, #tpu.memory_space<vmem_shared>>)
    } else {
    }
    %barrier3A = arith.constant 0 : index
    tpu.barrier barrier_id(%barrier3A)
    %scan3A = arith.constant 0 : i32
    %scan3A_81 = arith.constant 0 : i32
    %scan3A_82 = arith.constant 80 : i32
    %scan3A_83 = arith.addi %scan3A_81, %scan3A_82 : i32
    %scan3A_84 = arith.constant 1 : i32
    scf.for %scan3A_99 = %scan3A_81 to %scan3A_83 step %scan3A_84  : i32 {
      %mul3A_100 = arith.constant 2 : i32
      %mul3A_101 = arith.muli %mul3A_100, %scan3A_99 : i32
      %mul3A_102 = arith.constant 160 : i32
      %mul3A_103 = arith.muli %add3A, %mul3A_102 : i32
      %add3A_104 = arith.addi %mul3A_103, %mul3A_101 : i32
      %mul3A_105 = arith.constant 64 : i32
      %mul3A_106 = arith.muli %add3A_104, %mul3A_105 : i32
      %dma_wait3A_107 = tpu.memref_slice %arg4[%mul3A_106] : memref<327680xi32, #tpu.memory_space<hbm>> -> memref<64xi32, #tpu.memory_space<hbm>>
      %dma_wait3A_108 = tpu.memref_slice %arg4[%mul3A_106] : memref<327680xi32, #tpu.memory_space<hbm>> -> memref<64xi32, #tpu.memory_space<hbm>>
      tpu.wait_dma2 semaphore(%arg29 : memref<!tpu.dma_semaphore, #tpu.memory_space<semaphore_mem>>) src(%dma_wait3A_108 : memref<64xi32, #tpu.memory_space<hbm>>) dst(%arg19 : memref<64xi32, #tpu.memory_space<vmem>>)
      %scan3A_109 = arith.constant 0 : i32
      %scan3A_110 = arith.constant 0 : i32
      %scan3A_111 = arith.constant 4 : i32
      %scan3A_112 = arith.addi %scan3A_110, %scan3A_111 : i32
      %scan3A_113 = arith.constant 1 : i32
      scf.for %scan3A_197 = %scan3A_110 to %scan3A_112 step %scan3A_113  : i32 {
        %mul3A_198 = arith.constant 16 : i32
        %mul3A_199 = arith.muli %scan3A_197, %mul3A_198 : i32
        %get3A = arith.index_cast %mul3A_199 : i32 to index
        %get3A_200 = tpu.vector_load %arg17[%get3A] {strides = array<i32>} : memref<64xi32, #tpu.memory_space<vmem>>, vector<16xi32>,
        %mul3A_201 = arith.constant 16 : i32
        %mul3A_202 = arith.muli %scan3A_197, %mul3A_201 : i32
        %get3A_203 = arith.index_cast %mul3A_202 : i32 to index
        %get3A_204 = tpu.vector_load %arg19[%get3A_203] {strides = array<i32>} : memref<64xi32, #tpu.memory_space<vmem>>, vector<16xi32>,
        %gather3A = tpu.vector_load_idx %arg13[%get3A_200] : memref<10112xf32, #tpu.memory_space<vmem>>[vector<16xi32>], vector<16xf32>,
        %gather3A_205 = tpu.vector_load_idx %arg14[%get3A_204] : memref<10112xf32, #tpu.memory_space<vmem>>[vector<16xi32>], vector<16xf32>,
        %add3A_206 = arith.addf %gather3A, %gather3A_205 : vector<16xf32>
        %ge3A = arith.constant 0.000000e+00 : f32
        %ge3A_207 = vector.broadcast %ge3A : f32 to vector<16xf32>
        %ge3A_208 = arith.cmpf oge, %add3A_206, %ge3A_207 : vector<16xf32>
        %mul3A_209 = arith.constant 2.000000e-01 : f32
        %mul3A_210 = vector.broadcast %mul3A_209 : f32 to vector<16xf32>
        %mul3A_211 = arith.mulf %mul3A_210, %add3A_206 : vector<16xf32>
        %select_n3A = arith.select %ge3A_208, %add3A_206, %mul3A_211 : vector<16xi1>, vector<16xf32>
        %exp3A = math.exp %select_n3A : vector<16xf32>
        %mul3A_212 = arith.constant 16 : i32
        %mul3A_213 = arith.muli %scan3A_197, %mul3A_212 : i32
        %swap3A = arith.index_cast %mul3A_213 : i32 to index
        %swap3A_214 = tpu.vector_load %arg21[%swap3A] {strides = array<i32>} : memref<64xf32, #tpu.memory_space<vmem>>, vector<16xf32>,
        tpu.vector_store %arg21[%swap3A], %exp3A {strides = array<i32>} : memref<64xf32, #tpu.memory_space<vmem>>, vector<16xf32>,
      }
      %scan3A_114 = arith.constant 4 : i32
      %dma_wait3A_115 = arith.constant 0 : i32
      %dma_wait3A_116 = arith.constant 0 : i32
      %dma_wait3A_117 = tpu.memref_slice %arg6[%dma_wait3A_115, %dma_wait3A_116] : memref<10112x128xf32, #tpu.memory_space<hbm>> -> memref<10112x128xf32, #tpu.memory_space<hbm>>
      tpu.wait_indirect_dma semaphore(%arg25 : memref<!tpu.dma_semaphore, #tpu.memory_space<semaphore_mem>>) src(%dma_wait3A_117 : memref<10112x128xf32, #tpu.memory_space<hbm>>) dst(%arg15 : memref<64x128xf32, #tpu.memory_space<vmem>>)
      %add3A_118 = arith.constant 2 : i32
      %add3A_119 = arith.addi %mul3A_101, %add3A_118 : i32
      %lt3A = arith.constant 160 : i32
      %lt3A_120 = arith.cmpi slt, %add3A_119, %lt3A : i32
      %convert_element_type3A_121 = arith.extui %lt3A_120 : i1 to i32
      %cond3A_122 = arith.constant 0 : i32
      %cond3A_123 = arith.cmpi ne, %convert_element_type3A_121, %cond3A_122 : i32
      scf.if %cond3A_123 {
        %add3A_197 = arith.constant 2 : i32
        %add3A_198 = arith.addi %mul3A_101, %add3A_197 : i32
        %mul3A_199 = arith.constant 160 : i32
        %mul3A_200 = arith.muli %add3A, %mul3A_199 : i32
        %add3A_201 = arith.addi %mul3A_200, %add3A_198 : i32
        %mul3A_202 = arith.constant 64 : i32
        %mul3A_203 = arith.muli %add3A_201, %mul3A_202 : i32
        %dma_start3A_204 = tpu.memref_slice %arg2[%mul3A_203] : memref<327680xi32, #tpu.memory_space<hbm>> -> memref<64xi32, #tpu.memory_space<hbm>>
        %dma_start3A_205 = tpu.memref_slice %arg2[%mul3A_203] : memref<327680xi32, #tpu.memory_space<hbm>> -> memref<64xi32, #tpu.memory_space<hbm>>
        tpu.enqueue_dma source(%dma_start3A_205 : memref<64xi32, #tpu.memory_space<hbm>>) target(%arg17 : memref<64xi32, #tpu.memory_space<vmem>>) target_semaphore(%arg27 : memref<!tpu.dma_semaphore, #tpu.memory_space<semaphore_mem>>)
      } else {
      }
      %scan3A_124 = arith.constant 0 : i32
      %scan3A_125 = arith.constant 0 : i32
      %scan3A_126 = arith.constant 64 : i32
      %scan3A_127 = arith.addi %scan3A_125, %scan3A_126 : i32
      %scan3A_128 = arith.constant 1 : i32
      scf.for %scan3A_197 = %scan3A_125 to %scan3A_127 step %scan3A_128  : i32 {
        %broadcast_in_dim3A = vector.broadcast %scan3A_197 : i32 to vector<16xi32>
        %gather3A = tpu.vector_load_idx %arg21[%broadcast_in_dim3A] : memref<64xf32, #tpu.memory_space<vmem>>[vector<16xi32>], vector<16xf32>,
        %get3A = arith.index_cast %scan3A_197 : i32 to index
        %get3A_198 = arith.constant 0 : index
        %get3A_199 = tpu.vector_load %arg15[%get3A, %get3A_198] {strides = array<i32>} : memref<64x128xf32, #tpu.memory_space<vmem>>, vector<16xf32>,
        %mul3A_200 = arith.mulf %get3A_199, %gather3A : vector<16xf32>
        %swap3A = arith.index_cast %scan3A_197 : i32 to index
        %swap3A_201 = arith.constant 0 : index
        %swap3A_202 = tpu.vector_load %arg15[%swap3A, %swap3A_201] {strides = array<i32>} : memref<64x128xf32, #tpu.memory_space<vmem>>, vector<16xf32>,
        tpu.vector_store %arg15[%swap3A, %swap3A_201], %mul3A_200 {strides = array<i32>} : memref<64x128xf32, #tpu.memory_space<vmem>>, vector<16xf32>,
        %get3A_203 = arith.index_cast %scan3A_197 : i32 to index
        %get3A_204 = arith.constant 16 : index
        %get3A_205 = tpu.vector_load %arg15[%get3A_203, %get3A_204] {strides = array<i32>} : memref<64x128xf32, #tpu.memory_space<vmem>>, vector<16xf32>,
        %mul3A_206 = arith.mulf %get3A_205, %gather3A : vector<16xf32>
        %swap3A_207 = arith.index_cast %scan3A_197 : i32 to index
        %swap3A_208 = arith.constant 16 : index
        %swap3A_209 = tpu.vector_load %arg15[%swap3A_207, %swap3A_208] {strides = array<i32>} : memref<64x128xf32, #tpu.memory_space<vmem>>, vector<16xf32>,
        tpu.vector_store %arg15[%swap3A_207, %swap3A_208], %mul3A_206 {strides = array<i32>} : memref<64x128xf32, #tpu.memory_space<vmem>>, vector<16xf32>,
        %get3A_210 = arith.index_cast %scan3A_197 : i32 to index
        %get3A_211 = arith.constant 32 : index
        %get3A_212 = tpu.vector_load %arg15[%get3A_210, %get3A_211] {strides = array<i32>} : memref<64x128xf32, #tpu.memory_space<vmem>>, vector<16xf32>,
        %mul3A_213 = arith.mulf %get3A_212, %gather3A : vector<16xf32>
        %swap3A_214 = arith.index_cast %scan3A_197 : i32 to index
        %swap3A_215 = arith.constant 32 : index
        %swap3A_216 = tpu.vector_load %arg15[%swap3A_214, %swap3A_215] {strides = array<i32>} : memref<64x128xf32, #tpu.memory_space<vmem>>, vector<16xf32>,
        tpu.vector_store %arg15[%swap3A_214, %swap3A_215], %mul3A_213 {strides = array<i32>} : memref<64x128xf32, #tpu.memory_space<vmem>>, vector<16xf32>,
        %get3A_217 = arith.index_cast %scan3A_197 : i32 to index
        %get3A_218 = arith.constant 48 : index
        %get3A_219 = tpu.vector_load %arg15[%get3A_217, %get3A_218] {strides = array<i32>} : memref<64x128xf32, #tpu.memory_space<vmem>>, vector<16xf32>,
        %mul3A_220 = arith.mulf %get3A_219, %gather3A : vector<16xf32>
        %swap3A_221 = arith.index_cast %scan3A_197 : i32 to index
        %swap3A_222 = arith.constant 48 : index
        %swap3A_223 = tpu.vector_load %arg15[%swap3A_221, %swap3A_222] {strides = array<i32>} : memref<64x128xf32, #tpu.memory_space<vmem>>, vector<16xf32>,
        tpu.vector_store %arg15[%swap3A_221, %swap3A_222], %mul3A_220 {strides = array<i32>} : memref<64x128xf32, #tpu.memory_space<vmem>>, vector<16xf32>,
        %get3A_224 = arith.index_cast %scan3A_197 : i32 to index
        %get3A_225 = arith.constant 64 : index
        %get3A_226 = tpu.vector_load %arg15[%get3A_224, %get3A_225] {strides = array<i32>} : memref<64x128xf32, #tpu.memory_space<vmem>>, vector<16xf32>,
        %mul3A_227 = arith.mulf %get3A_226, %gather3A : vector<16xf32>
        %swap3A_228 = arith.index_cast %scan3A_197 : i32 to index
        %swap3A_229 = arith.constant 64 : index
        %swap3A_230 = tpu.vector_load %arg15[%swap3A_228, %swap3A_229] {strides = array<i32>} : memref<64x128xf32, #tpu.memory_space<vmem>>, vector<16xf32>,
        tpu.vector_store %arg15[%swap3A_228, %swap3A_229], %mul3A_227 {strides = array<i32>} : memref<64x128xf32, #tpu.memory_space<vmem>>, vector<16xf32>,
        %get3A_231 = arith.index_cast %scan3A_197 : i32 to index
        %get3A_232 = arith.constant 80 : index
        %get3A_233 = tpu.vector_load %arg15[%get3A_231, %get3A_232] {strides = array<i32>} : memref<64x128xf32, #tpu.memory_space<vmem>>, vector<16xf32>,
        %mul3A_234 = arith.mulf %get3A_233, %gather3A : vector<16xf32>
        %swap3A_235 = arith.index_cast %scan3A_197 : i32 to index
        %swap3A_236 = arith.constant 80 : index
        %swap3A_237 = tpu.vector_load %arg15[%swap3A_235, %swap3A_236] {strides = array<i32>} : memref<64x128xf32, #tpu.memory_space<vmem>>, vector<16xf32>,
        tpu.vector_store %arg15[%swap3A_235, %swap3A_236], %mul3A_234 {strides = array<i32>} : memref<64x128xf32, #tpu.memory_space<vmem>>, vector<16xf32>,
        %get3A_238 = arith.index_cast %scan3A_197 : i32 to index
        %get3A_239 = arith.constant 96 : index
        %get3A_240 = tpu.vector_load %arg15[%get3A_238, %get3A_239] {strides = array<i32>} : memref<64x128xf32, #tpu.memory_space<vmem>>, vector<16xf32>,
        %mul3A_241 = arith.mulf %get3A_240, %gather3A : vector<16xf32>
        %swap3A_242 = arith.index_cast %scan3A_197 : i32 to index
        %swap3A_243 = arith.constant 96 : index
        %swap3A_244 = tpu.vector_load %arg15[%swap3A_242, %swap3A_243] {strides = array<i32>} : memref<64x128xf32, #tpu.memory_space<vmem>>, vector<16xf32>,
        tpu.vector_store %arg15[%swap3A_242, %swap3A_243], %mul3A_241 {strides = array<i32>} : memref<64x128xf32, #tpu.memory_space<vmem>>, vector<16xf32>,
        %get3A_245 = arith.index_cast %scan3A_197 : i32 to index
        %get3A_246 = arith.constant 112 : index
        %get3A_247 = tpu.vector_load %arg15[%get3A_245, %get3A_246] {strides = array<i32>} : memref<64x128xf32, #tpu.memory_space<vmem>>, vector<16xf32>,
        %mul3A_248 = arith.mulf %get3A_247, %gather3A : vector<16xf32>
        %swap3A_249 = arith.index_cast %scan3A_197 : i32 to index
        %swap3A_250 = arith.constant 112 : index
        %swap3A_251 = tpu.vector_load %arg15[%swap3A_249, %swap3A_250] {strides = array<i32>} : memref<64x128xf32, #tpu.memory_space<vmem>>, vector<16xf32>,
        tpu.vector_store %arg15[%swap3A_249, %swap3A_250], %mul3A_248 {strides = array<i32>} : memref<64x128xf32, #tpu.memory_space<vmem>>, vector<16xf32>,
      }
      %scan3A_129 = arith.constant 64 : i32
      %dma_start3A_130 = arith.constant 0 : i32
      %dma_start3A_131 = arith.constant 0 : i32
      %dma_start3A_132 = tpu.memref_slice %arg23[%dma_start3A_130, %dma_start3A_131] : memref<10112x128xf32, #tpu.memory_space<vmem_shared>> -> memref<10112x128xf32, #tpu.memory_space<vmem_shared>>
      tpu.enqueue_indirect_dma source(%arg15 : memref<64x128xf32, #tpu.memory_space<vmem>>) target(%dma_start3A_132 : memref<10112x128xf32, #tpu.memory_space<vmem_shared>>) offsets(%arg19 : memref<64xi32, #tpu.memory_space<vmem>>) semaphore(%arg31 : memref<!tpu.dma_semaphore, #tpu.memory_space<semaphore_mem>>) {add = true}
      %dma_start3A_133 = arith.constant 0 : i32
      %dma_start3A_134 = tpu.memref_slice %arg24[%dma_start3A_133] : memref<10112xf32, #tpu.memory_space<vmem_shared>> -> memref<10112xf32, #tpu.memory_space<vmem_shared>>
      tpu.enqueue_indirect_dma source(%arg21 : memref<64xf32, #tpu.memory_space<vmem>>) target(%dma_start3A_134 : memref<10112xf32, #tpu.memory_space<vmem_shared>>) offsets(%arg19 : memref<64xi32, #tpu.memory_space<vmem>>) semaphore(%arg33 : memref<!tpu.dma_semaphore, #tpu.memory_space<semaphore_mem>>) {add = true}
      %add3A_135 = arith.constant 1 : i32
      %add3A_136 = arith.addi %mul3A_101, %add3A_135 : i32
      %mul3A_137 = arith.constant 160 : i32
      %mul3A_138 = arith.muli %add3A, %mul3A_137 : i32
      %add3A_139 = arith.addi %mul3A_138, %add3A_136 : i32
      %mul3A_140 = arith.constant 64 : i32
      %mul3A_141 = arith.muli %add3A_139, %mul3A_140 : i32
      %sub3A_142 = arith.constant 64 : i32
      %sub3A_143 = arith.subi %mul3A_141, %sub3A_142 : i32
      %dma_wait3A_144 = tpu.memref_slice %arg5[%sub3A_143] : memref<327680xi32, #tpu.memory_space<hbm>> -> memref<64xi32, #tpu.memory_space<hbm>>
      %dma_wait3A_145 = tpu.memref_slice %arg5[%sub3A_143] : memref<327680xi32, #tpu.memory_space<hbm>> -> memref<64xi32, #tpu.memory_space<hbm>>
      tpu.wait_dma2 semaphore(%arg30 : memref<!tpu.dma_semaphore, #tpu.memory_space<semaphore_mem>>) src(%dma_wait3A_145 : memref<64xi32, #tpu.memory_space<hbm>>) dst(%arg20 : memref<64xi32, #tpu.memory_space<vmem>>)
      %scan3A_146 = arith.constant 0 : i32
      %scan3A_147 = arith.constant 0 : i32
      %scan3A_148 = arith.constant 4 : i32
      %scan3A_149 = arith.addi %scan3A_147, %scan3A_148 : i32
      %scan3A_150 = arith.constant 1 : i32
      scf.for %scan3A_197 = %scan3A_147 to %scan3A_149 step %scan3A_150  : i32 {
        %mul3A_198 = arith.constant 16 : i32
        %mul3A_199 = arith.muli %scan3A_197, %mul3A_198 : i32
        %get3A = arith.index_cast %mul3A_199 : i32 to index
        %get3A_200 = tpu.vector_load %arg18[%get3A] {strides = array<i32>} : memref<64xi32, #tpu.memory_space<vmem>>, vector<16xi32>,
        %mul3A_201 = arith.constant 16 : i32
        %mul3A_202 = arith.muli %scan3A_197, %mul3A_201 : i32
        %get3A_203 = arith.index_cast %mul3A_202 : i32 to index
        %get3A_204 = tpu.vector_load %arg20[%get3A_203] {strides = array<i32>} : memref<64xi32, #tpu.memory_space<vmem>>, vector<16xi32>,
        %gather3A = tpu.vector_load_idx %arg13[%get3A_200] : memref<10112xf32, #tpu.memory_space<vmem>>[vector<16xi32>], vector<16xf32>,
        %gather3A_205 = tpu.vector_load_idx %arg14[%get3A_204] : memref<10112xf32, #tpu.memory_space<vmem>>[vector<16xi32>], vector<16xf32>,
        %add3A_206 = arith.addf %gather3A, %gather3A_205 : vector<16xf32>
        %ge3A = arith.constant 0.000000e+00 : f32
        %ge3A_207 = vector.broadcast %ge3A : f32 to vector<16xf32>
        %ge3A_208 = arith.cmpf oge, %add3A_206, %ge3A_207 : vector<16xf32>
        %mul3A_209 = arith.constant 2.000000e-01 : f32
        %mul3A_210 = vector.broadcast %mul3A_209 : f32 to vector<16xf32>
        %mul3A_211 = arith.mulf %mul3A_210, %add3A_206 : vector<16xf32>
        %select_n3A = arith.select %ge3A_208, %add3A_206, %mul3A_211 : vector<16xi1>, vector<16xf32>
        %exp3A = math.exp %select_n3A : vector<16xf32>
        %mul3A_212 = arith.constant 16 : i32
        %mul3A_213 = arith.muli %scan3A_197, %mul3A_212 : i32
        %swap3A = arith.index_cast %mul3A_213 : i32 to index
        %swap3A_214 = tpu.vector_load %arg22[%swap3A] {strides = array<i32>} : memref<64xf32, #tpu.memory_space<vmem>>, vector<16xf32>,
        tpu.vector_store %arg22[%swap3A], %exp3A {strides = array<i32>} : memref<64xf32, #tpu.memory_space<vmem>>, vector<16xf32>,
      }
      %scan3A_151 = arith.constant 4 : i32
      %dma_wait3A_152 = arith.constant 0 : i32
      %dma_wait3A_153 = arith.constant 0 : i32
      %dma_wait3A_154 = tpu.memref_slice %arg6[%dma_wait3A_152, %dma_wait3A_153] : memref<10112x128xf32, #tpu.memory_space<hbm>> -> memref<10112x128xf32, #tpu.memory_space<hbm>>
      tpu.wait_indirect_dma semaphore(%arg26 : memref<!tpu.dma_semaphore, #tpu.memory_space<semaphore_mem>>) src(%dma_wait3A_154 : memref<10112x128xf32, #tpu.memory_space<hbm>>) dst(%arg16 : memref<64x128xf32, #tpu.memory_space<vmem>>)
      %add3A_155 = arith.constant 2 : i32
      %add3A_156 = arith.addi %add3A_136, %add3A_155 : i32
      %lt3A_157 = arith.constant 160 : i32
      %lt3A_158 = arith.cmpi slt, %add3A_156, %lt3A_157 : i32
      %convert_element_type3A_159 = arith.extui %lt3A_158 : i1 to i32
      %cond3A_160 = arith.constant 0 : i32
      %cond3A_161 = arith.cmpi ne, %convert_element_type3A_159, %cond3A_160 : i32
      scf.if %cond3A_161 {
        %add3A_197 = arith.constant 2 : i32
        %add3A_198 = arith.addi %add3A_136, %add3A_197 : i32
        %mul3A_199 = arith.constant 160 : i32
        %mul3A_200 = arith.muli %add3A, %mul3A_199 : i32
        %add3A_201 = arith.addi %mul3A_200, %add3A_198 : i32
        %mul3A_202 = arith.constant 64 : i32
        %mul3A_203 = arith.muli %add3A_201, %mul3A_202 : i32
        %sub3A_204 = arith.constant 64 : i32
        %sub3A_205 = arith.subi %mul3A_203, %sub3A_204 : i32
        %dma_start3A_206 = tpu.memref_slice %arg3[%sub3A_205] : memref<327680xi32, #tpu.memory_space<hbm>> -> memref<64xi32, #tpu.memory_space<hbm>>
        %dma_start3A_207 = tpu.memref_slice %arg3[%sub3A_205] : memref<327680xi32, #tpu.memory_space<hbm>> -> memref<64xi32, #tpu.memory_space<hbm>>
        tpu.enqueue_dma source(%dma_start3A_207 : memref<64xi32, #tpu.memory_space<hbm>>) target(%arg18 : memref<64xi32, #tpu.memory_space<vmem>>) target_semaphore(%arg28 : memref<!tpu.dma_semaphore, #tpu.memory_space<semaphore_mem>>)
      } else {
      }
      %scan3A_162 = arith.constant 0 : i32
      %scan3A_163 = arith.constant 0 : i32
      %scan3A_164 = arith.constant 64 : i32
      %scan3A_165 = arith.addi %scan3A_163, %scan3A_164 : i32
      %scan3A_166 = arith.constant 1 : i32
      scf.for %scan3A_197 = %scan3A_163 to %scan3A_165 step %scan3A_166  : i32 {
        %broadcast_in_dim3A = vector.broadcast %scan3A_197 : i32 to vector<16xi32>
        %gather3A = tpu.vector_load_idx %arg22[%broadcast_in_dim3A] : memref<64xf32, #tpu.memory_space<vmem>>[vector<16xi32>], vector<16xf32>,
        %get3A = arith.index_cast %scan3A_197 : i32 to index
        %get3A_198 = arith.constant 0 : index
        %get3A_199 = tpu.vector_load %arg16[%get3A, %get3A_198] {strides = array<i32>} : memref<64x128xf32, #tpu.memory_space<vmem>>, vector<16xf32>,
        %mul3A_200 = arith.mulf %get3A_199, %gather3A : vector<16xf32>
        %swap3A = arith.index_cast %scan3A_197 : i32 to index
        %swap3A_201 = arith.constant 0 : index
        %swap3A_202 = tpu.vector_load %arg16[%swap3A, %swap3A_201] {strides = array<i32>} : memref<64x128xf32, #tpu.memory_space<vmem>>, vector<16xf32>,
        tpu.vector_store %arg16[%swap3A, %swap3A_201], %mul3A_200 {strides = array<i32>} : memref<64x128xf32, #tpu.memory_space<vmem>>, vector<16xf32>,
        %get3A_203 = arith.index_cast %scan3A_197 : i32 to index
        %get3A_204 = arith.constant 16 : index
        %get3A_205 = tpu.vector_load %arg16[%get3A_203, %get3A_204] {strides = array<i32>} : memref<64x128xf32, #tpu.memory_space<vmem>>, vector<16xf32>,
        %mul3A_206 = arith.mulf %get3A_205, %gather3A : vector<16xf32>
        %swap3A_207 = arith.index_cast %scan3A_197 : i32 to index
        %swap3A_208 = arith.constant 16 : index
        %swap3A_209 = tpu.vector_load %arg16[%swap3A_207, %swap3A_208] {strides = array<i32>} : memref<64x128xf32, #tpu.memory_space<vmem>>, vector<16xf32>,
        tpu.vector_store %arg16[%swap3A_207, %swap3A_208], %mul3A_206 {strides = array<i32>} : memref<64x128xf32, #tpu.memory_space<vmem>>, vector<16xf32>,
        %get3A_210 = arith.index_cast %scan3A_197 : i32 to index
        %get3A_211 = arith.constant 32 : index
        %get3A_212 = tpu.vector_load %arg16[%get3A_210, %get3A_211] {strides = array<i32>} : memref<64x128xf32, #tpu.memory_space<vmem>>, vector<16xf32>,
        %mul3A_213 = arith.mulf %get3A_212, %gather3A : vector<16xf32>
        %swap3A_214 = arith.index_cast %scan3A_197 : i32 to index
        %swap3A_215 = arith.constant 32 : index
        %swap3A_216 = tpu.vector_load %arg16[%swap3A_214, %swap3A_215] {strides = array<i32>} : memref<64x128xf32, #tpu.memory_space<vmem>>, vector<16xf32>,
        tpu.vector_store %arg16[%swap3A_214, %swap3A_215], %mul3A_213 {strides = array<i32>} : memref<64x128xf32, #tpu.memory_space<vmem>>, vector<16xf32>,
        %get3A_217 = arith.index_cast %scan3A_197 : i32 to index
        %get3A_218 = arith.constant 48 : index
        %get3A_219 = tpu.vector_load %arg16[%get3A_217, %get3A_218] {strides = array<i32>} : memref<64x128xf32, #tpu.memory_space<vmem>>, vector<16xf32>,
        %mul3A_220 = arith.mulf %get3A_219, %gather3A : vector<16xf32>
        %swap3A_221 = arith.index_cast %scan3A_197 : i32 to index
        %swap3A_222 = arith.constant 48 : index
        %swap3A_223 = tpu.vector_load %arg16[%swap3A_221, %swap3A_222] {strides = array<i32>} : memref<64x128xf32, #tpu.memory_space<vmem>>, vector<16xf32>,
        tpu.vector_store %arg16[%swap3A_221, %swap3A_222], %mul3A_220 {strides = array<i32>} : memref<64x128xf32, #tpu.memory_space<vmem>>, vector<16xf32>,
        %get3A_224 = arith.index_cast %scan3A_197 : i32 to index
        %get3A_225 = arith.constant 64 : index
        %get3A_226 = tpu.vector_load %arg16[%get3A_224, %get3A_225] {strides = array<i32>} : memref<64x128xf32, #tpu.memory_space<vmem>>, vector<16xf32>,
        %mul3A_227 = arith.mulf %get3A_226, %gather3A : vector<16xf32>
        %swap3A_228 = arith.index_cast %scan3A_197 : i32 to index
        %swap3A_229 = arith.constant 64 : index
        %swap3A_230 = tpu.vector_load %arg16[%swap3A_228, %swap3A_229] {strides = array<i32>} : memref<64x128xf32, #tpu.memory_space<vmem>>, vector<16xf32>,
        tpu.vector_store %arg16[%swap3A_228, %swap3A_229], %mul3A_227 {strides = array<i32>} : memref<64x128xf32, #tpu.memory_space<vmem>>, vector<16xf32>,
        %get3A_231 = arith.index_cast %scan3A_197 : i32 to index
        %get3A_232 = arith.constant 80 : index
        %get3A_233 = tpu.vector_load %arg16[%get3A_231, %get3A_232] {strides = array<i32>} : memref<64x128xf32, #tpu.memory_space<vmem>>, vector<16xf32>,
        %mul3A_234 = arith.mulf %get3A_233, %gather3A : vector<16xf32>
        %swap3A_235 = arith.index_cast %scan3A_197 : i32 to index
        %swap3A_236 = arith.constant 80 : index
        %swap3A_237 = tpu.vector_load %arg16[%swap3A_235, %swap3A_236] {strides = array<i32>} : memref<64x128xf32, #tpu.memory_space<vmem>>, vector<16xf32>,
        tpu.vector_store %arg16[%swap3A_235, %swap3A_236], %mul3A_234 {strides = array<i32>} : memref<64x128xf32, #tpu.memory_space<vmem>>, vector<16xf32>,
        %get3A_238 = arith.index_cast %scan3A_197 : i32 to index
        %get3A_239 = arith.constant 96 : index
        %get3A_240 = tpu.vector_load %arg16[%get3A_238, %get3A_239] {strides = array<i32>} : memref<64x128xf32, #tpu.memory_space<vmem>>, vector<16xf32>,
        %mul3A_241 = arith.mulf %get3A_240, %gather3A : vector<16xf32>
        %swap3A_242 = arith.index_cast %scan3A_197 : i32 to index
        %swap3A_243 = arith.constant 96 : index
        %swap3A_244 = tpu.vector_load %arg16[%swap3A_242, %swap3A_243] {strides = array<i32>} : memref<64x128xf32, #tpu.memory_space<vmem>>, vector<16xf32>,
        tpu.vector_store %arg16[%swap3A_242, %swap3A_243], %mul3A_241 {strides = array<i32>} : memref<64x128xf32, #tpu.memory_space<vmem>>, vector<16xf32>,
        %get3A_245 = arith.index_cast %scan3A_197 : i32 to index
        %get3A_246 = arith.constant 112 : index
        %get3A_247 = tpu.vector_load %arg16[%get3A_245, %get3A_246] {strides = array<i32>} : memref<64x128xf32, #tpu.memory_space<vmem>>, vector<16xf32>,
        %mul3A_248 = arith.mulf %get3A_247, %gather3A : vector<16xf32>
        %swap3A_249 = arith.index_cast %scan3A_197 : i32 to index
        %swap3A_250 = arith.constant 112 : index
        %swap3A_251 = tpu.vector_load %arg16[%swap3A_249, %swap3A_250] {strides = array<i32>} : memref<64x128xf32, #tpu.memory_space<vmem>>, vector<16xf32>,
        tpu.vector_store %arg16[%swap3A_249, %swap3A_250], %mul3A_248 {strides = array<i32>} : memref<64x128xf32, #tpu.memory_space<vmem>>, vector<16xf32>,
      }
      %scan3A_167 = arith.constant 64 : i32
      %dma_start3A_168 = arith.constant 0 : i32
      %dma_start3A_169 = arith.constant 0 : i32
      %dma_start3A_170 = tpu.memref_slice %arg23[%dma_start3A_168, %dma_start3A_169] : memref<10112x128xf32, #tpu.memory_space<vmem_shared>> -> memref<10112x128xf32, #tpu.memory_space<vmem_shared>>
      tpu.enqueue_indirect_dma source(%arg16 : memref<64x128xf32, #tpu.memory_space<vmem>>) target(%dma_start3A_170 : memref<10112x128xf32, #tpu.memory_space<vmem_shared>>) offsets(%arg20 : memref<64xi32, #tpu.memory_space<vmem>>) semaphore(%arg32 : memref<!tpu.dma_semaphore, #tpu.memory_space<semaphore_mem>>) {add = true}
      %dma_start3A_171 = arith.constant 0 : i32
      %dma_start3A_172 = tpu.memref_slice %arg24[%dma_start3A_171] : memref<10112xf32, #tpu.memory_space<vmem_shared>> -> memref<10112xf32, #tpu.memory_space<vmem_shared>>
      tpu.enqueue_indirect_dma source(%arg22 : memref<64xf32, #tpu.memory_space<vmem>>) target(%dma_start3A_172 : memref<10112xf32, #tpu.memory_space<vmem_shared>>) offsets(%arg20 : memref<64xi32, #tpu.memory_space<vmem>>) semaphore(%arg34 : memref<!tpu.dma_semaphore, #tpu.memory_space<semaphore_mem>>) {add = true}
      %dma_wait3A_173 = arith.constant 0 : i32
      %dma_wait3A_174 = arith.constant 0 : i32
      %dma_wait3A_175 = tpu.memref_slice %arg23[%dma_wait3A_173, %dma_wait3A_174] : memref<10112x128xf32, #tpu.memory_space<vmem_shared>> -> memref<10112x128xf32, #tpu.memory_space<vmem_shared>>
      tpu.wait_indirect_dma semaphore(%arg31 : memref<!tpu.dma_semaphore, #tpu.memory_space<semaphore_mem>>) src(%arg15 : memref<64x128xf32, #tpu.memory_space<vmem>>) dst(%dma_wait3A_175 : memref<10112x128xf32, #tpu.memory_space<vmem_shared>>)
      %dma_wait3A_176 = arith.constant 0 : i32
      %dma_wait3A_177 = tpu.memref_slice %arg24[%dma_wait3A_176] : memref<10112xf32, #tpu.memory_space<vmem_shared>> -> memref<10112xf32, #tpu.memory_space<vmem_shared>>
      tpu.wait_indirect_dma semaphore(%arg33 : memref<!tpu.dma_semaphore, #tpu.memory_space<semaphore_mem>>) src(%arg21 : memref<64xf32, #tpu.memory_space<vmem>>) dst(%dma_wait3A_177 : memref<10112xf32, #tpu.memory_space<vmem_shared>>)
      %add3A_178 = arith.constant 2 : i32
      %add3A_179 = arith.addi %mul3A_101, %add3A_178 : i32
      %lt3A_180 = arith.constant 160 : i32
      %lt3A_181 = arith.cmpi slt, %add3A_179, %lt3A_180 : i32
      %convert_element_type3A_182 = arith.extui %lt3A_181 : i1 to i32
      %cond3A_183 = arith.constant 0 : i32
      %cond3A_184 = arith.cmpi ne, %convert_element_type3A_182, %cond3A_183 : i32
      scf.if %cond3A_184 {
        %add3A_197 = arith.constant 2 : i32
        %add3A_198 = arith.addi %mul3A_101, %add3A_197 : i32
        %mul3A_199 = arith.constant 160 : i32
        %mul3A_200 = arith.muli %add3A, %mul3A_199 : i32
        %add3A_201 = arith.addi %mul3A_200, %add3A_198 : i32
        %mul3A_202 = arith.constant 64 : i32
        %mul3A_203 = arith.muli %add3A_201, %mul3A_202 : i32
        %dma_start3A_204 = tpu.memref_slice %arg4[%mul3A_203] : memref<327680xi32, #tpu.memory_space<hbm>> -> memref<64xi32, #tpu.memory_space<hbm>>
        %dma_start3A_205 = tpu.memref_slice %arg4[%mul3A_203] : memref<327680xi32, #tpu.memory_space<hbm>> -> memref<64xi32, #tpu.memory_space<hbm>>
        tpu.enqueue_dma source(%dma_start3A_205 : memref<64xi32, #tpu.memory_space<hbm>>) target(%arg19 : memref<64xi32, #tpu.memory_space<vmem>>) target_semaphore(%arg29 : memref<!tpu.dma_semaphore, #tpu.memory_space<semaphore_mem>>)
        %add3A_206 = arith.constant 2 : i32
        %add3A_207 = arith.addi %mul3A_101, %add3A_206 : i32
        %mul3A_208 = arith.constant 160 : i32
        %mul3A_209 = arith.muli %add3A, %mul3A_208 : i32
        %add3A_210 = arith.addi %mul3A_209, %add3A_207 : i32
        %mul3A_211 = arith.constant 64 : i32
        %mul3A_212 = arith.muli %add3A_210, %mul3A_211 : i32
        %dma_wait3A_213 = tpu.memref_slice %arg2[%mul3A_212] : memref<327680xi32, #tpu.memory_space<hbm>> -> memref<64xi32, #tpu.memory_space<hbm>>
        %dma_wait3A_214 = tpu.memref_slice %arg2[%mul3A_212] : memref<327680xi32, #tpu.memory_space<hbm>> -> memref<64xi32, #tpu.memory_space<hbm>>
        tpu.wait_dma2 semaphore(%arg27 : memref<!tpu.dma_semaphore, #tpu.memory_space<semaphore_mem>>) src(%dma_wait3A_214 : memref<64xi32, #tpu.memory_space<hbm>>) dst(%arg17 : memref<64xi32, #tpu.memory_space<vmem>>)
        %dma_start3A_215 = arith.constant 0 : i32
        %dma_start3A_216 = arith.constant 0 : i32
        %dma_start3A_217 = tpu.memref_slice %arg6[%dma_start3A_215, %dma_start3A_216] : memref<10112x128xf32, #tpu.memory_space<hbm>> -> memref<10112x128xf32, #tpu.memory_space<hbm>>
        tpu.enqueue_indirect_dma source(%dma_start3A_217 : memref<10112x128xf32, #tpu.memory_space<hbm>>) target(%arg15 : memref<64x128xf32, #tpu.memory_space<vmem>>) offsets(%arg17 : memref<64xi32, #tpu.memory_space<vmem>>) semaphore(%arg25 : memref<!tpu.dma_semaphore, #tpu.memory_space<semaphore_mem>>)
      } else {
      }
      %dma_wait3A_185 = arith.constant 0 : i32
      %dma_wait3A_186 = arith.constant 0 : i32
      %dma_wait3A_187 = tpu.memref_slice %arg23[%dma_wait3A_185, %dma_wait3A_186] : memref<10112x128xf32, #tpu.memory_space<vmem_shared>> -> memref<10112x128xf32, #tpu.memory_space<vmem_shared>>
      tpu.wait_indirect_dma semaphore(%arg32 : memref<!tpu.dma_semaphore, #tpu.memory_space<semaphore_mem>>) src(%arg16 : memref<64x128xf32, #tpu.memory_space<vmem>>) dst(%dma_wait3A_187 : memref<10112x128xf32, #tpu.memory_space<vmem_shared>>)
      %dma_wait3A_188 = arith.constant 0 : i32
      %dma_wait3A_189 = tpu.memref_slice %arg24[%dma_wait3A_188] : memref<10112xf32, #tpu.memory_space<vmem_shared>> -> memref<10112xf32, #tpu.memory_space<vmem_shared>>
      tpu.wait_indirect_dma semaphore(%arg34 : memref<!tpu.dma_semaphore, #tpu.memory_space<semaphore_mem>>) src(%arg22 : memref<64xf32, #tpu.memory_space<vmem>>) dst(%dma_wait3A_189 : memref<10112xf32, #tpu.memory_space<vmem_shared>>)
      %add3A_190 = arith.constant 3 : i32
      %add3A_191 = arith.addi %mul3A_101, %add3A_190 : i32
      %lt3A_192 = arith.constant 160 : i32
      %lt3A_193 = arith.cmpi slt, %add3A_191, %lt3A_192 : i32
      %convert_element_type3A_194 = arith.extui %lt3A_193 : i1 to i32
      %cond3A_195 = arith.constant 0 : i32
      %cond3A_196 = arith.cmpi ne, %convert_element_type3A_194, %cond3A_195 : i32
      scf.if %cond3A_196 {
        %add3A_197 = arith.constant 3 : i32
        %add3A_198 = arith.addi %mul3A_101, %add3A_197 : i32
        %mul3A_199 = arith.constant 160 : i32
        %mul3A_200 = arith.muli %add3A, %mul3A_199 : i32
        %add3A_201 = arith.addi %mul3A_200, %add3A_198 : i32
        %mul3A_202 = arith.constant 64 : i32
        %mul3A_203 = arith.muli %add3A_201, %mul3A_202 : i32
        %sub3A_204 = arith.constant 64 : i32
        %sub3A_205 = arith.subi %mul3A_203, %sub3A_204 : i32
        %dma_start3A_206 = tpu.memref_slice %arg5[%sub3A_205] : memref<327680xi32, #tpu.memory_space<hbm>> -> memref<64xi32, #tpu.memory_space<hbm>>
        %dma_start3A_207 = tpu.memref_slice %arg5[%sub3A_205] : memref<327680xi32, #tpu.memory_space<hbm>> -> memref<64xi32, #tpu.memory_space<hbm>>
        tpu.enqueue_dma source(%dma_start3A_207 : memref<64xi32, #tpu.memory_space<hbm>>) target(%arg20 : memref<64xi32, #tpu.memory_space<vmem>>) target_semaphore(%arg30 : memref<!tpu.dma_semaphore, #tpu.memory_space<semaphore_mem>>)
        %add3A_208 = arith.constant 3 : i32
        %add3A_209 = arith.addi %mul3A_101, %add3A_208 : i32
        %mul3A_210 = arith.constant 160 : i32
        %mul3A_211 = arith.muli %add3A, %mul3A_210 : i32
        %add3A_212 = arith.addi %mul3A_211, %add3A_209 : i32
        %mul3A_213 = arith.constant 64 : i32
        %mul3A_214 = arith.muli %add3A_212, %mul3A_213 : i32
        %sub3A_215 = arith.constant 64 : i32
        %sub3A_216 = arith.subi %mul3A_214, %sub3A_215 : i32
        %dma_wait3A_217 = tpu.memref_slice %arg3[%sub3A_216] : memref<327680xi32, #tpu.memory_space<hbm>> -> memref<64xi32, #tpu.memory_space<hbm>>
        %dma_wait3A_218 = tpu.memref_slice %arg3[%sub3A_216] : memref<327680xi32, #tpu.memory_space<hbm>> -> memref<64xi32, #tpu.memory_space<hbm>>
        tpu.wait_dma2 semaphore(%arg28 : memref<!tpu.dma_semaphore, #tpu.memory_space<semaphore_mem>>) src(%dma_wait3A_218 : memref<64xi32, #tpu.memory_space<hbm>>) dst(%arg18 : memref<64xi32, #tpu.memory_space<vmem>>)
        %dma_start3A_219 = arith.constant 0 : i32
        %dma_start3A_220 = arith.constant 0 : i32
        %dma_start3A_221 = tpu.memref_slice %arg6[%dma_start3A_219, %dma_start3A_220] : memref<10112x128xf32, #tpu.memory_space<hbm>> -> memref<10112x128xf32, #tpu.memory_space<hbm>>
        tpu.enqueue_indirect_dma source(%dma_start3A_221 : memref<10112x128xf32, #tpu.memory_space<hbm>>) target(%arg16 : memref<64x128xf32, #tpu.memory_space<vmem>>) offsets(%arg18 : memref<64xi32, #tpu.memory_space<vmem>>) semaphore(%arg26 : memref<!tpu.dma_semaphore, #tpu.memory_space<semaphore_mem>>)
      } else {
      }
    }
    %scan3A_85 = arith.constant 80 : i32
    %barrier3A_86 = arith.constant 0 : index
    tpu.barrier barrier_id(%barrier3A_86)
    %mul3A_87 = arith.constant 632 : i32
    %mul3A_88 = arith.muli %arg1, %mul3A_87 : i32
    %mul3A_89 = arith.constant 10112 : i32
    %mul3A_90 = arith.muli %arg0, %mul3A_89 : i32
    %mul3A_91 = arith.constant 632 : i32
    %mul3A_92 = arith.muli %arg1, %mul3A_91 : i32
    %add3A_93 = arith.addi %mul3A_90, %mul3A_92 : i32
    "tpu.region"() ({
      %run_scoped3A = tpu.sem_alloc : memref<!tpu.dma_semaphore, #tpu.memory_space<semaphore_mem>>
      %dma_start3A_99 = arith.constant 0 : i32
      %dma_start3A_100 = tpu.memref_slice %arg11[%add3A_93, %dma_start3A_99] : memref<20224x128xf32, #tpu.memory_space<hbm>> -> memref<632x128xf32, #tpu.memory_space<hbm>>
      %dma_start3A_101 = arith.constant 0 : i32
      %dma_start3A_102 = tpu.memref_slice %arg23[%mul3A_88, %dma_start3A_101] : memref<10112x128xf32, #tpu.memory_space<vmem_shared>> -> memref<632x128xf32, #tpu.memory_space<vmem_shared>>
      tpu.enqueue_dma source(%dma_start3A_102 : memref<632x128xf32, #tpu.memory_space<vmem_shared>>) target(%dma_start3A_100 : memref<632x128xf32, #tpu.memory_space<hbm>>) target_semaphore(%run_scoped3A : memref<!tpu.dma_semaphore, #tpu.memory_space<semaphore_mem>>)
      %dma_wait3A_103 = arith.constant 0 : i32
      %dma_wait3A_104 = tpu.memref_slice %arg11[%add3A_93, %dma_wait3A_103] : memref<20224x128xf32, #tpu.memory_space<hbm>> -> memref<632x128xf32, #tpu.memory_space<hbm>>
      %dma_wait3A_105 = arith.constant 0 : i32
      %dma_wait3A_106 = tpu.memref_slice %arg23[%mul3A_88, %dma_wait3A_105] : memref<10112x128xf32, #tpu.memory_space<vmem_shared>> -> memref<632x128xf32, #tpu.memory_space<vmem_shared>>
      tpu.wait_dma2 semaphore(%run_scoped3A : memref<!tpu.dma_semaphore, #tpu.memory_space<semaphore_mem>>) src(%dma_wait3A_106 : memref<632x128xf32, #tpu.memory_space<vmem_shared>>) dst(%dma_wait3A_104 : memref<632x128xf32, #tpu.memory_space<hbm>>)
      tpu.yield
    }) : () -> ()
    %eq3A_94 = arith.constant 0 : i32
    %eq3A_95 = arith.cmpi eq, %arg1, %eq3A_94 : i32
    %convert_element_type3A_96 = arith.extui %eq3A_95 : i1 to i32
    %cond3A_97 = arith.constant 0 : i32
    %cond3A_98 = arith.cmpi ne, %convert_element_type3A_96, %cond3A_97 : i32
    scf.if %cond3A_98 {
      %mul3A_99 = arith.constant 10112 : i32
      %mul3A_100 = arith.muli %arg0, %mul3A_99 : i32
      "tpu.region"() ({
        %run_scoped3A = tpu.sem_alloc : memref<!tpu.dma_semaphore, #tpu.memory_space<semaphore_mem>>
        %dma_start3A_101 = tpu.memref_slice %arg12[%mul3A_100] : memref<20224xf32, #tpu.memory_space<hbm>> -> memref<10112xf32, #tpu.memory_space<hbm>>
        tpu.enqueue_dma source(%arg24 : memref<10112xf32, #tpu.memory_space<vmem_shared>>) target(%dma_start3A_101 : memref<10112xf32, #tpu.memory_space<hbm>>) target_semaphore(%run_scoped3A : memref<!tpu.dma_semaphore, #tpu.memory_space<semaphore_mem>>)
        %dma_wait3A_102 = tpu.memref_slice %arg12[%mul3A_100] : memref<20224xf32, #tpu.memory_space<hbm>> -> memref<10112xf32, #tpu.memory_space<hbm>>
        tpu.wait_dma2 semaphore(%run_scoped3A : memref<!tpu.dma_semaphore, #tpu.memory_space<semaphore_mem>>) src(%arg24 : memref<10112xf32, #tpu.memory_space<vmem_shared>>) dst(%dma_wait3A_102 : memref<10112xf32, #tpu.memory_space<hbm>>)
        tpu.yield
      }) : () -> ()
    } else {
    }
    return
  }
}

#map = affine_map<(d0, d1) -> (0)>
#map1 = affine_map<(d0, d1) -> (0, 0)>
module attributes {stable_mosaic.version = 14 : i64} {
  func.func @_sc_edge(%arg0: i32, %arg1: i32, %arg2: memref<327680xi32, #tpu.memory_space<hbm>>, %arg3: memref<327680xi32, #tpu.memory_space<hbm>>, %arg4: memref<327680xi32, #tpu.memory_space<hbm>>, %arg5: memref<327680xi32, #tpu.memory_space<hbm>>, %arg6: memref<10112x128xf32, #tpu.memory_space<hbm>>, %arg7: memref<10112xf32, #tpu.memory_space<hbm>>, %arg8: memref<10112xf32, #tpu.memory_space<hbm>>, %arg9: memref<10112x128xf32, #tpu.memory_space<hbm>>, %arg10: memref<10112xf32, #tpu.memory_space<hbm>>, %arg11: memref<20224x128xf32, #tpu.memory_space<hbm>>, %arg12: memref<20224xf32, #tpu.memory_space<hbm>>, %arg13: memref<10112xf32, #tpu.memory_space<vmem>>, %arg14: memref<10112xf32, #tpu.memory_space<vmem>>, %arg15: memref<64x128xf32, #tpu.memory_space<vmem>>, %arg16: memref<64x128xf32, #tpu.memory_space<vmem>>, %arg17: memref<64xi32, #tpu.memory_space<vmem>>, %arg18: memref<64xi32, #tpu.memory_space<vmem>>, %arg19: memref<64xi32, #tpu.memory_space<vmem>>, %arg20: memref<64xi32, #tpu.memory_space<vmem>>, %arg21: memref<64xf32, #tpu.memory_space<vmem>>, %arg22: memref<64xf32, #tpu.memory_space<vmem>>, %arg23: memref<10112x128xf32, #tpu.memory_space<vmem_shared>>, %arg24: memref<10112xf32, #tpu.memory_space<vmem_shared>>, %arg25: memref<!tpu.dma_semaphore, #tpu.memory_space<semaphore_mem>>, %arg26: memref<!tpu.dma_semaphore, #tpu.memory_space<semaphore_mem>>, %arg27: memref<!tpu.dma_semaphore, #tpu.memory_space<semaphore_mem>>, %arg28: memref<!tpu.dma_semaphore, #tpu.memory_space<semaphore_mem>>, %arg29: memref<!tpu.dma_semaphore, #tpu.memory_space<semaphore_mem>>, %arg30: memref<!tpu.dma_semaphore, #tpu.memory_space<semaphore_mem>>, %arg31: memref<!tpu.dma_semaphore, #tpu.memory_space<semaphore_mem>>, %arg32: memref<!tpu.dma_semaphore, #tpu.memory_space<semaphore_mem>>, %arg33: memref<!tpu.dma_semaphore, #tpu.memory_space<semaphore_mem>>, %arg34: memref<!tpu.dma_semaphore, #tpu.memory_space<semaphore_mem>>, %arg35: memref<!tpu.dma_semaphore, #tpu.memory_space<semaphore_mem>>, %arg36: memref<!tpu.dma_semaphore, #tpu.memory_space<semaphore_mem>>) attributes {dimension_semantics = [#tpu.dimension_semantics<core_parallel>, #tpu.dimension_semantics<subcore_parallel>], iteration_bounds = array<i64: 2, 16>, scalar_prefetch = 0 : i64, scratch_operands = 24 : i64, tpu.core_type = #tpu.core_type<sc_vector_subcore>, window_params = [{transform_indices = #map}, {transform_indices = #map}, {transform_indices = #map}, {transform_indices = #map}, {transform_indices = #map1}, {transform_indices = #map}, {transform_indices = #map}, {transform_indices = #map1}, {transform_indices = #map}, {transform_indices = #map1}, {transform_indices = #map}]} {
    %mul3A = arith.constant 16 : i32
    %mul3A_0 = arith.muli %arg0, %mul3A : i32
    %add3A = arith.addi %mul3A_0, %arg1 : i32
    %mul3A_1 = arith.constant 632 : i32
    %mul3A_2 = arith.muli %arg1, %mul3A_1 : i32
    %mul3A_3 = arith.constant 632 : i32
    %mul3A_4 = arith.muli %arg1, %mul3A_3 : i32
    %dma_start3A = arith.constant 0 : i32
    %dma_start3A_5 = tpu.memref_slice %arg23[%mul3A_4, %dma_start3A] : memref<10112x128xf32, #tpu.memory_space<vmem_shared>> -> memref<632x128xf32, #tpu.memory_space<vmem_shared>>
    %dma_start3A_6 = arith.constant 0 : i32
    %dma_start3A_7 = tpu.memref_slice %arg9[%mul3A_2, %dma_start3A_6] : memref<10112x128xf32, #tpu.memory_space<hbm>> -> memref<632x128xf32, #tpu.memory_space<hbm>>
    tpu.enqueue_dma source(%dma_start3A_7 : memref<632x128xf32, #tpu.memory_space<hbm>>) target(%dma_start3A_5 : memref<632x128xf32, #tpu.memory_space<vmem_shared>>) target_semaphore(%arg35 : memref<!tpu.dma_semaphore, #tpu.memory_space<semaphore_mem>>)
    %eq3A = arith.constant 0 : i32
    %eq3A_8 = arith.cmpi eq, %arg1, %eq3A : i32
    %convert_element_type3A = arith.extui %eq3A_8 : i1 to i32
    %cond3A = arith.constant 0 : i32
    %cond3A_9 = arith.cmpi ne, %convert_element_type3A, %cond3A : i32
    scf.if %cond3A_9 {
      tpu.enqueue_dma source(%arg10 : memref<10112xf32, #tpu.memory_space<hbm>>) target(%arg24 : memref<10112xf32, #tpu.memory_space<vmem_shared>>) target_semaphore(%arg36 : memref<!tpu.dma_semaphore, #tpu.memory_space<semaphore_mem>>)
    } else {
    }
    "tpu.region"() ({
      %run_scoped3A = tpu.sem_alloc : memref<!tpu.dma_semaphore, #tpu.memory_space<semaphore_mem>>
      tpu.enqueue_dma source(%arg7 : memref<10112xf32, #tpu.memory_space<hbm>>) target(%arg13 : memref<10112xf32, #tpu.memory_space<vmem>>) target_semaphore(%run_scoped3A : memref<!tpu.dma_semaphore, #tpu.memory_space<semaphore_mem>>)
      tpu.wait_dma2 semaphore(%run_scoped3A : memref<!tpu.dma_semaphore, #tpu.memory_space<semaphore_mem>>) src(%arg7 : memref<10112xf32, #tpu.memory_space<hbm>>) dst(%arg13 : memref<10112xf32, #tpu.memory_space<vmem>>)
      tpu.yield
    }) : () -> ()
    "tpu.region"() ({
      %run_scoped3A = tpu.sem_alloc : memref<!tpu.dma_semaphore, #tpu.memory_space<semaphore_mem>>
      tpu.enqueue_dma source(%arg8 : memref<10112xf32, #tpu.memory_space<hbm>>) target(%arg14 : memref<10112xf32, #tpu.memory_space<vmem>>) target_semaphore(%run_scoped3A : memref<!tpu.dma_semaphore, #tpu.memory_space<semaphore_mem>>)
      tpu.wait_dma2 semaphore(%run_scoped3A : memref<!tpu.dma_semaphore, #tpu.memory_space<semaphore_mem>>) src(%arg8 : memref<10112xf32, #tpu.memory_space<hbm>>) dst(%arg14 : memref<10112xf32, #tpu.memory_space<vmem>>)
      tpu.yield
    }) : () -> ()
    %mul3A_10 = arith.constant 160 : i32
    %mul3A_11 = arith.muli %add3A, %mul3A_10 : i32
    %add3A_12 = arith.constant 0 : i32
    %add3A_13 = arith.addi %mul3A_11, %add3A_12 : i32
    %mul3A_14 = arith.constant 64 : i32
    %mul3A_15 = arith.muli %add3A_13, %mul3A_14 : i32
    %dma_start3A_16 = tpu.memref_slice %arg2[%mul3A_15] : memref<327680xi32, #tpu.memory_space<hbm>> -> memref<64xi32, #tpu.memory_space<hbm>>
    %dma_start3A_17 = tpu.memref_slice %arg2[%mul3A_15] : memref<327680xi32, #tpu.memory_space<hbm>> -> memref<64xi32, #tpu.memory_space<hbm>>
    tpu.enqueue_dma source(%dma_start3A_17 : memref<64xi32, #tpu.memory_space<hbm>>) target(%arg17 : memref<64xi32, #tpu.memory_space<vmem>>) target_semaphore(%arg27 : memref<!tpu.dma_semaphore, #tpu.memory_space<semaphore_mem>>)
    %mul3A_18 = arith.constant 160 : i32
    %mul3A_19 = arith.muli %add3A, %mul3A_18 : i32
    %add3A_20 = arith.constant 0 : i32
    %add3A_21 = arith.addi %mul3A_19, %add3A_20 : i32
    %mul3A_22 = arith.constant 64 : i32
    %mul3A_23 = arith.muli %add3A_21, %mul3A_22 : i32
    %dma_start3A_24 = tpu.memref_slice %arg4[%mul3A_23] : memref<327680xi32, #tpu.memory_space<hbm>> -> memref<64xi32, #tpu.memory_space<hbm>>
    %dma_start3A_25 = tpu.memref_slice %arg4[%mul3A_23] : memref<327680xi32, #tpu.memory_space<hbm>> -> memref<64xi32, #tpu.memory_space<hbm>>
    tpu.enqueue_dma source(%dma_start3A_25 : memref<64xi32, #tpu.memory_space<hbm>>) target(%arg19 : memref<64xi32, #tpu.memory_space<vmem>>) target_semaphore(%arg29 : memref<!tpu.dma_semaphore, #tpu.memory_space<semaphore_mem>>)
    %mul3A_26 = arith.constant 160 : i32
    %mul3A_27 = arith.muli %add3A, %mul3A_26 : i32
    %add3A_28 = arith.constant 1 : i32
    %add3A_29 = arith.addi %mul3A_27, %add3A_28 : i32
    %mul3A_30 = arith.constant 64 : i32
    %mul3A_31 = arith.muli %add3A_29, %mul3A_30 : i32
    %sub3A = arith.constant 64 : i32
    %sub3A_32 = arith.subi %mul3A_31, %sub3A : i32
    %dma_start3A_33 = tpu.memref_slice %arg3[%sub3A_32] : memref<327680xi32, #tpu.memory_space<hbm>> -> memref<64xi32, #tpu.memory_space<hbm>>
    %dma_start3A_34 = tpu.memref_slice %arg3[%sub3A_32] : memref<327680xi32, #tpu.memory_space<hbm>> -> memref<64xi32, #tpu.memory_space<hbm>>
    tpu.enqueue_dma source(%dma_start3A_34 : memref<64xi32, #tpu.memory_space<hbm>>) target(%arg18 : memref<64xi32, #tpu.memory_space<vmem>>) target_semaphore(%arg28 : memref<!tpu.dma_semaphore, #tpu.memory_space<semaphore_mem>>)
    %mul3A_35 = arith.constant 160 : i32
    %mul3A_36 = arith.muli %add3A, %mul3A_35 : i32
    %add3A_37 = arith.constant 1 : i32
    %add3A_38 = arith.addi %mul3A_36, %add3A_37 : i32
    %mul3A_39 = arith.constant 64 : i32
    %mul3A_40 = arith.muli %add3A_38, %mul3A_39 : i32
    %sub3A_41 = arith.constant 64 : i32
    %sub3A_42 = arith.subi %mul3A_40, %sub3A_41 : i32
    %dma_start3A_43 = tpu.memref_slice %arg5[%sub3A_42] : memref<327680xi32, #tpu.memory_space<hbm>> -> memref<64xi32, #tpu.memory_space<hbm>>
    %dma_start3A_44 = tpu.memref_slice %arg5[%sub3A_42] : memref<327680xi32, #tpu.memory_space<hbm>> -> memref<64xi32, #tpu.memory_space<hbm>>
    tpu.enqueue_dma source(%dma_start3A_44 : memref<64xi32, #tpu.memory_space<hbm>>) target(%arg20 : memref<64xi32, #tpu.memory_space<vmem>>) target_semaphore(%arg30 : memref<!tpu.dma_semaphore, #tpu.memory_space<semaphore_mem>>)
    %mul3A_45 = arith.constant 160 : i32
    %mul3A_46 = arith.muli %add3A, %mul3A_45 : i32
    %add3A_47 = arith.constant 0 : i32
    %add3A_48 = arith.addi %mul3A_46, %add3A_47 : i32
    %mul3A_49 = arith.constant 64 : i32
    %mul3A_50 = arith.muli %add3A_48, %mul3A_49 : i32
    %dma_wait3A = tpu.memref_slice %arg2[%mul3A_50] : memref<327680xi32, #tpu.memory_space<hbm>> -> memref<64xi32, #tpu.memory_space<hbm>>
    %dma_wait3A_51 = tpu.memref_slice %arg2[%mul3A_50] : memref<327680xi32, #tpu.memory_space<hbm>> -> memref<64xi32, #tpu.memory_space<hbm>>
    tpu.wait_dma2 semaphore(%arg27 : memref<!tpu.dma_semaphore, #tpu.memory_space<semaphore_mem>>) src(%dma_wait3A_51 : memref<64xi32, #tpu.memory_space<hbm>>) dst(%arg17 : memref<64xi32, #tpu.memory_space<vmem>>)
    %dma_start3A_52 = arith.constant 0 : i32
    %dma_start3A_53 = arith.constant 0 : i32
    %dma_start3A_54 = tpu.memref_slice %arg6[%dma_start3A_52, %dma_start3A_53] : memref<10112x128xf32, #tpu.memory_space<hbm>> -> memref<10112x128xf32, #tpu.memory_space<hbm>>
    tpu.enqueue_indirect_dma source(%dma_start3A_54 : memref<10112x128xf32, #tpu.memory_space<hbm>>) target(%arg15 : memref<64x128xf32, #tpu.memory_space<vmem>>) offsets(%arg17 : memref<64xi32, #tpu.memory_space<vmem>>) semaphore(%arg25 : memref<!tpu.dma_semaphore, #tpu.memory_space<semaphore_mem>>)
    %mul3A_55 = arith.constant 160 : i32
    %mul3A_56 = arith.muli %add3A, %mul3A_55 : i32
    %add3A_57 = arith.constant 1 : i32
    %add3A_58 = arith.addi %mul3A_56, %add3A_57 : i32
    %mul3A_59 = arith.constant 64 : i32
    %mul3A_60 = arith.muli %add3A_58, %mul3A_59 : i32
    %sub3A_61 = arith.constant 64 : i32
    %sub3A_62 = arith.subi %mul3A_60, %sub3A_61 : i32
    %dma_wait3A_63 = tpu.memref_slice %arg3[%sub3A_62] : memref<327680xi32, #tpu.memory_space<hbm>> -> memref<64xi32, #tpu.memory_space<hbm>>
    %dma_wait3A_64 = tpu.memref_slice %arg3[%sub3A_62] : memref<327680xi32, #tpu.memory_space<hbm>> -> memref<64xi32, #tpu.memory_space<hbm>>
    tpu.wait_dma2 semaphore(%arg28 : memref<!tpu.dma_semaphore, #tpu.memory_space<semaphore_mem>>) src(%dma_wait3A_64 : memref<64xi32, #tpu.memory_space<hbm>>) dst(%arg18 : memref<64xi32, #tpu.memory_space<vmem>>)
    %dma_start3A_65 = arith.constant 0 : i32
    %dma_start3A_66 = arith.constant 0 : i32
    %dma_start3A_67 = tpu.memref_slice %arg6[%dma_start3A_65, %dma_start3A_66] : memref<10112x128xf32, #tpu.memory_space<hbm>> -> memref<10112x128xf32, #tpu.memory_space<hbm>>
    tpu.enqueue_indirect_dma source(%dma_start3A_67 : memref<10112x128xf32, #tpu.memory_space<hbm>>) target(%arg16 : memref<64x128xf32, #tpu.memory_space<vmem>>) offsets(%arg18 : memref<64xi32, #tpu.memory_space<vmem>>) semaphore(%arg26 : memref<!tpu.dma_semaphore, #tpu.memory_space<semaphore_mem>>)
    %mul3A_68 = arith.constant 632 : i32
    %mul3A_69 = arith.muli %arg1, %mul3A_68 : i32
    %mul3A_70 = arith.constant 632 : i32
    %mul3A_71 = arith.muli %arg1, %mul3A_70 : i32
    %dma_wait3A_72 = arith.constant 0 : i32
    %dma_wait3A_73 = tpu.memref_slice %arg23[%mul3A_71, %dma_wait3A_72] : memref<10112x128xf32, #tpu.memory_space<vmem_shared>> -> memref<632x128xf32, #tpu.memory_space<vmem_shared>>
    %dma_wait3A_74 = arith.constant 0 : i32
    %dma_wait3A_75 = tpu.memref_slice %arg9[%mul3A_69, %dma_wait3A_74] : memref<10112x128xf32, #tpu.memory_space<hbm>> -> memref<632x128xf32, #tpu.memory_space<hbm>>
    tpu.wait_dma2 semaphore(%arg35 : memref<!tpu.dma_semaphore, #tpu.memory_space<semaphore_mem>>) src(%dma_wait3A_75 : memref<632x128xf32, #tpu.memory_space<hbm>>) dst(%dma_wait3A_73 : memref<632x128xf32, #tpu.memory_space<vmem_shared>>)
    %eq3A_76 = arith.constant 0 : i32
    %eq3A_77 = arith.cmpi eq, %arg1, %eq3A_76 : i32
    %convert_element_type3A_78 = arith.extui %eq3A_77 : i1 to i32
    %cond3A_79 = arith.constant 0 : i32
    %cond3A_80 = arith.cmpi ne, %convert_element_type3A_78, %cond3A_79 : i32
    scf.if %cond3A_80 {
      tpu.wait_dma2 semaphore(%arg36 : memref<!tpu.dma_semaphore, #tpu.memory_space<semaphore_mem>>) src(%arg10 : memref<10112xf32, #tpu.memory_space<hbm>>) dst(%arg24 : memref<10112xf32, #tpu.memory_space<vmem_shared>>)
    } else {
    }
    %barrier3A = arith.constant 0 : index
    tpu.barrier barrier_id(%barrier3A)
    %scan3A = arith.constant 0 : i32
    %scan3A_81 = arith.constant 0 : i32
    %scan3A_82 = arith.constant 80 : i32
    %scan3A_83 = arith.addi %scan3A_81, %scan3A_82 : i32
    %scan3A_84 = arith.constant 1 : i32
    scf.for %scan3A_99 = %scan3A_81 to %scan3A_83 step %scan3A_84  : i32 {
      %mul3A_100 = arith.constant 2 : i32
      %mul3A_101 = arith.muli %mul3A_100, %scan3A_99 : i32
      %mul3A_102 = arith.constant 160 : i32
      %mul3A_103 = arith.muli %add3A, %mul3A_102 : i32
      %add3A_104 = arith.addi %mul3A_103, %mul3A_101 : i32
      %mul3A_105 = arith.constant 64 : i32
      %mul3A_106 = arith.muli %add3A_104, %mul3A_105 : i32
      %dma_wait3A_107 = tpu.memref_slice %arg4[%mul3A_106] : memref<327680xi32, #tpu.memory_space<hbm>> -> memref<64xi32, #tpu.memory_space<hbm>>
      %dma_wait3A_108 = tpu.memref_slice %arg4[%mul3A_106] : memref<327680xi32, #tpu.memory_space<hbm>> -> memref<64xi32, #tpu.memory_space<hbm>>
      tpu.wait_dma2 semaphore(%arg29 : memref<!tpu.dma_semaphore, #tpu.memory_space<semaphore_mem>>) src(%dma_wait3A_108 : memref<64xi32, #tpu.memory_space<hbm>>) dst(%arg19 : memref<64xi32, #tpu.memory_space<vmem>>)
      %scan3A_109 = arith.constant 0 : i32
      %scan3A_110 = arith.constant 0 : i32
      %scan3A_111 = arith.constant 4 : i32
      %scan3A_112 = arith.addi %scan3A_110, %scan3A_111 : i32
      %scan3A_113 = arith.constant 1 : i32
      scf.for %scan3A_197 = %scan3A_110 to %scan3A_112 step %scan3A_113  : i32 {
        %mul3A_198 = arith.constant 16 : i32
        %mul3A_199 = arith.muli %scan3A_197, %mul3A_198 : i32
        %get3A = arith.index_cast %mul3A_199 : i32 to index
        %get3A_200 = tpu.vector_load %arg17[%get3A] {strides = array<i32>} : memref<64xi32, #tpu.memory_space<vmem>>, vector<16xi32>,
        %mul3A_201 = arith.constant 16 : i32
        %mul3A_202 = arith.muli %scan3A_197, %mul3A_201 : i32
        %get3A_203 = arith.index_cast %mul3A_202 : i32 to index
        %get3A_204 = tpu.vector_load %arg19[%get3A_203] {strides = array<i32>} : memref<64xi32, #tpu.memory_space<vmem>>, vector<16xi32>,
        %gather3A = tpu.vector_load_idx %arg13[%get3A_200] : memref<10112xf32, #tpu.memory_space<vmem>>[vector<16xi32>], vector<16xf32>,
        %gather3A_205 = tpu.vector_load_idx %arg14[%get3A_204] : memref<10112xf32, #tpu.memory_space<vmem>>[vector<16xi32>], vector<16xf32>,
        %add3A_206 = arith.addf %gather3A, %gather3A_205 : vector<16xf32>
        %ge3A = arith.constant 0.000000e+00 : f32
        %ge3A_207 = vector.broadcast %ge3A : f32 to vector<16xf32>
        %ge3A_208 = arith.cmpf oge, %add3A_206, %ge3A_207 : vector<16xf32>
        %mul3A_209 = arith.constant 2.000000e-01 : f32
        %mul3A_210 = vector.broadcast %mul3A_209 : f32 to vector<16xf32>
        %mul3A_211 = arith.mulf %mul3A_210, %add3A_206 : vector<16xf32>
        %select_n3A = arith.select %ge3A_208, %add3A_206, %mul3A_211 : vector<16xi1>, vector<16xf32>
        %exp3A = math.exp %select_n3A : vector<16xf32>
        %mul3A_212 = arith.constant 16 : i32
        %mul3A_213 = arith.muli %scan3A_197, %mul3A_212 : i32
        %swap3A = arith.index_cast %mul3A_213 : i32 to index
        %swap3A_214 = tpu.vector_load %arg21[%swap3A] {strides = array<i32>} : memref<64xf32, #tpu.memory_space<vmem>>, vector<16xf32>,
        tpu.vector_store %arg21[%swap3A], %exp3A {strides = array<i32>} : memref<64xf32, #tpu.memory_space<vmem>>, vector<16xf32>,
      }
      %scan3A_114 = arith.constant 4 : i32
      %dma_wait3A_115 = arith.constant 0 : i32
      %dma_wait3A_116 = arith.constant 0 : i32
      %dma_wait3A_117 = tpu.memref_slice %arg6[%dma_wait3A_115, %dma_wait3A_116] : memref<10112x128xf32, #tpu.memory_space<hbm>> -> memref<10112x128xf32, #tpu.memory_space<hbm>>
      tpu.wait_indirect_dma semaphore(%arg25 : memref<!tpu.dma_semaphore, #tpu.memory_space<semaphore_mem>>) src(%dma_wait3A_117 : memref<10112x128xf32, #tpu.memory_space<hbm>>) dst(%arg15 : memref<64x128xf32, #tpu.memory_space<vmem>>)
      %add3A_118 = arith.constant 2 : i32
      %add3A_119 = arith.addi %mul3A_101, %add3A_118 : i32
      %lt3A = arith.constant 160 : i32
      %lt3A_120 = arith.cmpi slt, %add3A_119, %lt3A : i32
      %convert_element_type3A_121 = arith.extui %lt3A_120 : i1 to i32
      %cond3A_122 = arith.constant 0 : i32
      %cond3A_123 = arith.cmpi ne, %convert_element_type3A_121, %cond3A_122 : i32
      scf.if %cond3A_123 {
        %add3A_197 = arith.constant 2 : i32
        %add3A_198 = arith.addi %mul3A_101, %add3A_197 : i32
        %mul3A_199 = arith.constant 160 : i32
        %mul3A_200 = arith.muli %add3A, %mul3A_199 : i32
        %add3A_201 = arith.addi %mul3A_200, %add3A_198 : i32
        %mul3A_202 = arith.constant 64 : i32
        %mul3A_203 = arith.muli %add3A_201, %mul3A_202 : i32
        %dma_start3A_204 = tpu.memref_slice %arg2[%mul3A_203] : memref<327680xi32, #tpu.memory_space<hbm>> -> memref<64xi32, #tpu.memory_space<hbm>>
        %dma_start3A_205 = tpu.memref_slice %arg2[%mul3A_203] : memref<327680xi32, #tpu.memory_space<hbm>> -> memref<64xi32, #tpu.memory_space<hbm>>
        tpu.enqueue_dma source(%dma_start3A_205 : memref<64xi32, #tpu.memory_space<hbm>>) target(%arg17 : memref<64xi32, #tpu.memory_space<vmem>>) target_semaphore(%arg27 : memref<!tpu.dma_semaphore, #tpu.memory_space<semaphore_mem>>)
      } else {
      }
      %scan3A_124 = arith.constant 0 : i32
      %scan3A_125 = arith.constant 0 : i32
      %scan3A_126 = arith.constant 64 : i32
      %scan3A_127 = arith.addi %scan3A_125, %scan3A_126 : i32
      %scan3A_128 = arith.constant 1 : i32
      scf.for %scan3A_197 = %scan3A_125 to %scan3A_127 step %scan3A_128  : i32 {
        %broadcast_in_dim3A = vector.broadcast %scan3A_197 : i32 to vector<16xi32>
        %gather3A = tpu.vector_load_idx %arg21[%broadcast_in_dim3A] : memref<64xf32, #tpu.memory_space<vmem>>[vector<16xi32>], vector<16xf32>,
        %get3A = arith.index_cast %scan3A_197 : i32 to index
        %get3A_198 = arith.constant 0 : index
        %get3A_199 = tpu.vector_load %arg15[%get3A, %get3A_198] {strides = array<i32>} : memref<64x128xf32, #tpu.memory_space<vmem>>, vector<16xf32>,
        %mul3A_200 = arith.mulf %get3A_199, %gather3A : vector<16xf32>
        %swap3A = arith.index_cast %scan3A_197 : i32 to index
        %swap3A_201 = arith.constant 0 : index
        %swap3A_202 = tpu.vector_load %arg15[%swap3A, %swap3A_201] {strides = array<i32>} : memref<64x128xf32, #tpu.memory_space<vmem>>, vector<16xf32>,
        tpu.vector_store %arg15[%swap3A, %swap3A_201], %mul3A_200 {strides = array<i32>} : memref<64x128xf32, #tpu.memory_space<vmem>>, vector<16xf32>,
        %get3A_203 = arith.index_cast %scan3A_197 : i32 to index
        %get3A_204 = arith.constant 16 : index
        %get3A_205 = tpu.vector_load %arg15[%get3A_203, %get3A_204] {strides = array<i32>} : memref<64x128xf32, #tpu.memory_space<vmem>>, vector<16xf32>,
        %mul3A_206 = arith.mulf %get3A_205, %gather3A : vector<16xf32>
        %swap3A_207 = arith.index_cast %scan3A_197 : i32 to index
        %swap3A_208 = arith.constant 16 : index
        %swap3A_209 = tpu.vector_load %arg15[%swap3A_207, %swap3A_208] {strides = array<i32>} : memref<64x128xf32, #tpu.memory_space<vmem>>, vector<16xf32>,
        tpu.vector_store %arg15[%swap3A_207, %swap3A_208], %mul3A_206 {strides = array<i32>} : memref<64x128xf32, #tpu.memory_space<vmem>>, vector<16xf32>,
        %get3A_210 = arith.index_cast %scan3A_197 : i32 to index
        %get3A_211 = arith.constant 32 : index
        %get3A_212 = tpu.vector_load %arg15[%get3A_210, %get3A_211] {strides = array<i32>} : memref<64x128xf32, #tpu.memory_space<vmem>>, vector<16xf32>,
        %mul3A_213 = arith.mulf %get3A_212, %gather3A : vector<16xf32>
        %swap3A_214 = arith.index_cast %scan3A_197 : i32 to index
        %swap3A_215 = arith.constant 32 : index
        %swap3A_216 = tpu.vector_load %arg15[%swap3A_214, %swap3A_215] {strides = array<i32>} : memref<64x128xf32, #tpu.memory_space<vmem>>, vector<16xf32>,
        tpu.vector_store %arg15[%swap3A_214, %swap3A_215], %mul3A_213 {strides = array<i32>} : memref<64x128xf32, #tpu.memory_space<vmem>>, vector<16xf32>,
        %get3A_217 = arith.index_cast %scan3A_197 : i32 to index
        %get3A_218 = arith.constant 48 : index
        %get3A_219 = tpu.vector_load %arg15[%get3A_217, %get3A_218] {strides = array<i32>} : memref<64x128xf32, #tpu.memory_space<vmem>>, vector<16xf32>,
        %mul3A_220 = arith.mulf %get3A_219, %gather3A : vector<16xf32>
        %swap3A_221 = arith.index_cast %scan3A_197 : i32 to index
        %swap3A_222 = arith.constant 48 : index
        %swap3A_223 = tpu.vector_load %arg15[%swap3A_221, %swap3A_222] {strides = array<i32>} : memref<64x128xf32, #tpu.memory_space<vmem>>, vector<16xf32>,
        tpu.vector_store %arg15[%swap3A_221, %swap3A_222], %mul3A_220 {strides = array<i32>} : memref<64x128xf32, #tpu.memory_space<vmem>>, vector<16xf32>,
        %get3A_224 = arith.index_cast %scan3A_197 : i32 to index
        %get3A_225 = arith.constant 64 : index
        %get3A_226 = tpu.vector_load %arg15[%get3A_224, %get3A_225] {strides = array<i32>} : memref<64x128xf32, #tpu.memory_space<vmem>>, vector<16xf32>,
        %mul3A_227 = arith.mulf %get3A_226, %gather3A : vector<16xf32>
        %swap3A_228 = arith.index_cast %scan3A_197 : i32 to index
        %swap3A_229 = arith.constant 64 : index
        %swap3A_230 = tpu.vector_load %arg15[%swap3A_228, %swap3A_229] {strides = array<i32>} : memref<64x128xf32, #tpu.memory_space<vmem>>, vector<16xf32>,
        tpu.vector_store %arg15[%swap3A_228, %swap3A_229], %mul3A_227 {strides = array<i32>} : memref<64x128xf32, #tpu.memory_space<vmem>>, vector<16xf32>,
        %get3A_231 = arith.index_cast %scan3A_197 : i32 to index
        %get3A_232 = arith.constant 80 : index
        %get3A_233 = tpu.vector_load %arg15[%get3A_231, %get3A_232] {strides = array<i32>} : memref<64x128xf32, #tpu.memory_space<vmem>>, vector<16xf32>,
        %mul3A_234 = arith.mulf %get3A_233, %gather3A : vector<16xf32>
        %swap3A_235 = arith.index_cast %scan3A_197 : i32 to index
        %swap3A_236 = arith.constant 80 : index
        %swap3A_237 = tpu.vector_load %arg15[%swap3A_235, %swap3A_236] {strides = array<i32>} : memref<64x128xf32, #tpu.memory_space<vmem>>, vector<16xf32>,
        tpu.vector_store %arg15[%swap3A_235, %swap3A_236], %mul3A_234 {strides = array<i32>} : memref<64x128xf32, #tpu.memory_space<vmem>>, vector<16xf32>,
        %get3A_238 = arith.index_cast %scan3A_197 : i32 to index
        %get3A_239 = arith.constant 96 : index
        %get3A_240 = tpu.vector_load %arg15[%get3A_238, %get3A_239] {strides = array<i32>} : memref<64x128xf32, #tpu.memory_space<vmem>>, vector<16xf32>,
        %mul3A_241 = arith.mulf %get3A_240, %gather3A : vector<16xf32>
        %swap3A_242 = arith.index_cast %scan3A_197 : i32 to index
        %swap3A_243 = arith.constant 96 : index
        %swap3A_244 = tpu.vector_load %arg15[%swap3A_242, %swap3A_243] {strides = array<i32>} : memref<64x128xf32, #tpu.memory_space<vmem>>, vector<16xf32>,
        tpu.vector_store %arg15[%swap3A_242, %swap3A_243], %mul3A_241 {strides = array<i32>} : memref<64x128xf32, #tpu.memory_space<vmem>>, vector<16xf32>,
        %get3A_245 = arith.index_cast %scan3A_197 : i32 to index
        %get3A_246 = arith.constant 112 : index
        %get3A_247 = tpu.vector_load %arg15[%get3A_245, %get3A_246] {strides = array<i32>} : memref<64x128xf32, #tpu.memory_space<vmem>>, vector<16xf32>,
        %mul3A_248 = arith.mulf %get3A_247, %gather3A : vector<16xf32>
        %swap3A_249 = arith.index_cast %scan3A_197 : i32 to index
        %swap3A_250 = arith.constant 112 : index
        %swap3A_251 = tpu.vector_load %arg15[%swap3A_249, %swap3A_250] {strides = array<i32>} : memref<64x128xf32, #tpu.memory_space<vmem>>, vector<16xf32>,
        tpu.vector_store %arg15[%swap3A_249, %swap3A_250], %mul3A_248 {strides = array<i32>} : memref<64x128xf32, #tpu.memory_space<vmem>>, vector<16xf32>,
      }
      %scan3A_129 = arith.constant 64 : i32
      %dma_start3A_130 = arith.constant 0 : i32
      %dma_start3A_131 = arith.constant 0 : i32
      %dma_start3A_132 = tpu.memref_slice %arg23[%dma_start3A_130, %dma_start3A_131] : memref<10112x128xf32, #tpu.memory_space<vmem_shared>> -> memref<10112x128xf32, #tpu.memory_space<vmem_shared>>
      tpu.enqueue_indirect_dma source(%arg15 : memref<64x128xf32, #tpu.memory_space<vmem>>) target(%dma_start3A_132 : memref<10112x128xf32, #tpu.memory_space<vmem_shared>>) offsets(%arg19 : memref<64xi32, #tpu.memory_space<vmem>>) semaphore(%arg31 : memref<!tpu.dma_semaphore, #tpu.memory_space<semaphore_mem>>) {add = true}
      %dma_start3A_133 = arith.constant 0 : i32
      %dma_start3A_134 = tpu.memref_slice %arg24[%dma_start3A_133] : memref<10112xf32, #tpu.memory_space<vmem_shared>> -> memref<10112xf32, #tpu.memory_space<vmem_shared>>
      tpu.enqueue_indirect_dma source(%arg21 : memref<64xf32, #tpu.memory_space<vmem>>) target(%dma_start3A_134 : memref<10112xf32, #tpu.memory_space<vmem_shared>>) offsets(%arg19 : memref<64xi32, #tpu.memory_space<vmem>>) semaphore(%arg33 : memref<!tpu.dma_semaphore, #tpu.memory_space<semaphore_mem>>) {add = true}
      %add3A_135 = arith.constant 1 : i32
      %add3A_136 = arith.addi %mul3A_101, %add3A_135 : i32
      %mul3A_137 = arith.constant 160 : i32
      %mul3A_138 = arith.muli %add3A, %mul3A_137 : i32
      %add3A_139 = arith.addi %mul3A_138, %add3A_136 : i32
      %mul3A_140 = arith.constant 64 : i32
      %mul3A_141 = arith.muli %add3A_139, %mul3A_140 : i32
      %sub3A_142 = arith.constant 64 : i32
      %sub3A_143 = arith.subi %mul3A_141, %sub3A_142 : i32
      %dma_wait3A_144 = tpu.memref_slice %arg5[%sub3A_143] : memref<327680xi32, #tpu.memory_space<hbm>> -> memref<64xi32, #tpu.memory_space<hbm>>
      %dma_wait3A_145 = tpu.memref_slice %arg5[%sub3A_143] : memref<327680xi32, #tpu.memory_space<hbm>> -> memref<64xi32, #tpu.memory_space<hbm>>
      tpu.wait_dma2 semaphore(%arg30 : memref<!tpu.dma_semaphore, #tpu.memory_space<semaphore_mem>>) src(%dma_wait3A_145 : memref<64xi32, #tpu.memory_space<hbm>>) dst(%arg20 : memref<64xi32, #tpu.memory_space<vmem>>)
      %scan3A_146 = arith.constant 0 : i32
      %scan3A_147 = arith.constant 0 : i32
      %scan3A_148 = arith.constant 4 : i32
      %scan3A_149 = arith.addi %scan3A_147, %scan3A_148 : i32
      %scan3A_150 = arith.constant 1 : i32
      scf.for %scan3A_197 = %scan3A_147 to %scan3A_149 step %scan3A_150  : i32 {
        %mul3A_198 = arith.constant 16 : i32
        %mul3A_199 = arith.muli %scan3A_197, %mul3A_198 : i32
        %get3A = arith.index_cast %mul3A_199 : i32 to index
        %get3A_200 = tpu.vector_load %arg18[%get3A] {strides = array<i32>} : memref<64xi32, #tpu.memory_space<vmem>>, vector<16xi32>,
        %mul3A_201 = arith.constant 16 : i32
        %mul3A_202 = arith.muli %scan3A_197, %mul3A_201 : i32
        %get3A_203 = arith.index_cast %mul3A_202 : i32 to index
        %get3A_204 = tpu.vector_load %arg20[%get3A_203] {strides = array<i32>} : memref<64xi32, #tpu.memory_space<vmem>>, vector<16xi32>,
        %gather3A = tpu.vector_load_idx %arg13[%get3A_200] : memref<10112xf32, #tpu.memory_space<vmem>>[vector<16xi32>], vector<16xf32>,
        %gather3A_205 = tpu.vector_load_idx %arg14[%get3A_204] : memref<10112xf32, #tpu.memory_space<vmem>>[vector<16xi32>], vector<16xf32>,
        %add3A_206 = arith.addf %gather3A, %gather3A_205 : vector<16xf32>
        %ge3A = arith.constant 0.000000e+00 : f32
        %ge3A_207 = vector.broadcast %ge3A : f32 to vector<16xf32>
        %ge3A_208 = arith.cmpf oge, %add3A_206, %ge3A_207 : vector<16xf32>
        %mul3A_209 = arith.constant 2.000000e-01 : f32
        %mul3A_210 = vector.broadcast %mul3A_209 : f32 to vector<16xf32>
        %mul3A_211 = arith.mulf %mul3A_210, %add3A_206 : vector<16xf32>
        %select_n3A = arith.select %ge3A_208, %add3A_206, %mul3A_211 : vector<16xi1>, vector<16xf32>
        %exp3A = math.exp %select_n3A : vector<16xf32>
        %mul3A_212 = arith.constant 16 : i32
        %mul3A_213 = arith.muli %scan3A_197, %mul3A_212 : i32
        %swap3A = arith.index_cast %mul3A_213 : i32 to index
        %swap3A_214 = tpu.vector_load %arg22[%swap3A] {strides = array<i32>} : memref<64xf32, #tpu.memory_space<vmem>>, vector<16xf32>,
        tpu.vector_store %arg22[%swap3A], %exp3A {strides = array<i32>} : memref<64xf32, #tpu.memory_space<vmem>>, vector<16xf32>,
      }
      %scan3A_151 = arith.constant 4 : i32
      %dma_wait3A_152 = arith.constant 0 : i32
      %dma_wait3A_153 = arith.constant 0 : i32
      %dma_wait3A_154 = tpu.memref_slice %arg6[%dma_wait3A_152, %dma_wait3A_153] : memref<10112x128xf32, #tpu.memory_space<hbm>> -> memref<10112x128xf32, #tpu.memory_space<hbm>>
      tpu.wait_indirect_dma semaphore(%arg26 : memref<!tpu.dma_semaphore, #tpu.memory_space<semaphore_mem>>) src(%dma_wait3A_154 : memref<10112x128xf32, #tpu.memory_space<hbm>>) dst(%arg16 : memref<64x128xf32, #tpu.memory_space<vmem>>)
      %add3A_155 = arith.constant 2 : i32
      %add3A_156 = arith.addi %add3A_136, %add3A_155 : i32
      %lt3A_157 = arith.constant 160 : i32
      %lt3A_158 = arith.cmpi slt, %add3A_156, %lt3A_157 : i32
      %convert_element_type3A_159 = arith.extui %lt3A_158 : i1 to i32
      %cond3A_160 = arith.constant 0 : i32
      %cond3A_161 = arith.cmpi ne, %convert_element_type3A_159, %cond3A_160 : i32
      scf.if %cond3A_161 {
        %add3A_197 = arith.constant 2 : i32
        %add3A_198 = arith.addi %add3A_136, %add3A_197 : i32
        %mul3A_199 = arith.constant 160 : i32
        %mul3A_200 = arith.muli %add3A, %mul3A_199 : i32
        %add3A_201 = arith.addi %mul3A_200, %add3A_198 : i32
        %mul3A_202 = arith.constant 64 : i32
        %mul3A_203 = arith.muli %add3A_201, %mul3A_202 : i32
        %sub3A_204 = arith.constant 64 : i32
        %sub3A_205 = arith.subi %mul3A_203, %sub3A_204 : i32
        %dma_start3A_206 = tpu.memref_slice %arg3[%sub3A_205] : memref<327680xi32, #tpu.memory_space<hbm>> -> memref<64xi32, #tpu.memory_space<hbm>>
        %dma_start3A_207 = tpu.memref_slice %arg3[%sub3A_205] : memref<327680xi32, #tpu.memory_space<hbm>> -> memref<64xi32, #tpu.memory_space<hbm>>
        tpu.enqueue_dma source(%dma_start3A_207 : memref<64xi32, #tpu.memory_space<hbm>>) target(%arg18 : memref<64xi32, #tpu.memory_space<vmem>>) target_semaphore(%arg28 : memref<!tpu.dma_semaphore, #tpu.memory_space<semaphore_mem>>)
      } else {
      }
      %scan3A_162 = arith.constant 0 : i32
      %scan3A_163 = arith.constant 0 : i32
      %scan3A_164 = arith.constant 64 : i32
      %scan3A_165 = arith.addi %scan3A_163, %scan3A_164 : i32
      %scan3A_166 = arith.constant 1 : i32
      scf.for %scan3A_197 = %scan3A_163 to %scan3A_165 step %scan3A_166  : i32 {
        %broadcast_in_dim3A = vector.broadcast %scan3A_197 : i32 to vector<16xi32>
        %gather3A = tpu.vector_load_idx %arg22[%broadcast_in_dim3A] : memref<64xf32, #tpu.memory_space<vmem>>[vector<16xi32>], vector<16xf32>,
        %get3A = arith.index_cast %scan3A_197 : i32 to index
        %get3A_198 = arith.constant 0 : index
        %get3A_199 = tpu.vector_load %arg16[%get3A, %get3A_198] {strides = array<i32>} : memref<64x128xf32, #tpu.memory_space<vmem>>, vector<16xf32>,
        %mul3A_200 = arith.mulf %get3A_199, %gather3A : vector<16xf32>
        %swap3A = arith.index_cast %scan3A_197 : i32 to index
        %swap3A_201 = arith.constant 0 : index
        %swap3A_202 = tpu.vector_load %arg16[%swap3A, %swap3A_201] {strides = array<i32>} : memref<64x128xf32, #tpu.memory_space<vmem>>, vector<16xf32>,
        tpu.vector_store %arg16[%swap3A, %swap3A_201], %mul3A_200 {strides = array<i32>} : memref<64x128xf32, #tpu.memory_space<vmem>>, vector<16xf32>,
        %get3A_203 = arith.index_cast %scan3A_197 : i32 to index
        %get3A_204 = arith.constant 16 : index
        %get3A_205 = tpu.vector_load %arg16[%get3A_203, %get3A_204] {strides = array<i32>} : memref<64x128xf32, #tpu.memory_space<vmem>>, vector<16xf32>,
        %mul3A_206 = arith.mulf %get3A_205, %gather3A : vector<16xf32>
        %swap3A_207 = arith.index_cast %scan3A_197 : i32 to index
        %swap3A_208 = arith.constant 16 : index
        %swap3A_209 = tpu.vector_load %arg16[%swap3A_207, %swap3A_208] {strides = array<i32>} : memref<64x128xf32, #tpu.memory_space<vmem>>, vector<16xf32>,
        tpu.vector_store %arg16[%swap3A_207, %swap3A_208], %mul3A_206 {strides = array<i32>} : memref<64x128xf32, #tpu.memory_space<vmem>>, vector<16xf32>,
        %get3A_210 = arith.index_cast %scan3A_197 : i32 to index
        %get3A_211 = arith.constant 32 : index
        %get3A_212 = tpu.vector_load %arg16[%get3A_210, %get3A_211] {strides = array<i32>} : memref<64x128xf32, #tpu.memory_space<vmem>>, vector<16xf32>,
        %mul3A_213 = arith.mulf %get3A_212, %gather3A : vector<16xf32>
        %swap3A_214 = arith.index_cast %scan3A_197 : i32 to index
        %swap3A_215 = arith.constant 32 : index
        %swap3A_216 = tpu.vector_load %arg16[%swap3A_214, %swap3A_215] {strides = array<i32>} : memref<64x128xf32, #tpu.memory_space<vmem>>, vector<16xf32>,
        tpu.vector_store %arg16[%swap3A_214, %swap3A_215], %mul3A_213 {strides = array<i32>} : memref<64x128xf32, #tpu.memory_space<vmem>>, vector<16xf32>,
        %get3A_217 = arith.index_cast %scan3A_197 : i32 to index
        %get3A_218 = arith.constant 48 : index
        %get3A_219 = tpu.vector_load %arg16[%get3A_217, %get3A_218] {strides = array<i32>} : memref<64x128xf32, #tpu.memory_space<vmem>>, vector<16xf32>,
        %mul3A_220 = arith.mulf %get3A_219, %gather3A : vector<16xf32>
        %swap3A_221 = arith.index_cast %scan3A_197 : i32 to index
        %swap3A_222 = arith.constant 48 : index
        %swap3A_223 = tpu.vector_load %arg16[%swap3A_221, %swap3A_222] {strides = array<i32>} : memref<64x128xf32, #tpu.memory_space<vmem>>, vector<16xf32>,
        tpu.vector_store %arg16[%swap3A_221, %swap3A_222], %mul3A_220 {strides = array<i32>} : memref<64x128xf32, #tpu.memory_space<vmem>>, vector<16xf32>,
        %get3A_224 = arith.index_cast %scan3A_197 : i32 to index
        %get3A_225 = arith.constant 64 : index
        %get3A_226 = tpu.vector_load %arg16[%get3A_224, %get3A_225] {strides = array<i32>} : memref<64x128xf32, #tpu.memory_space<vmem>>, vector<16xf32>,
        %mul3A_227 = arith.mulf %get3A_226, %gather3A : vector<16xf32>
        %swap3A_228 = arith.index_cast %scan3A_197 : i32 to index
        %swap3A_229 = arith.constant 64 : index
        %swap3A_230 = tpu.vector_load %arg16[%swap3A_228, %swap3A_229] {strides = array<i32>} : memref<64x128xf32, #tpu.memory_space<vmem>>, vector<16xf32>,
        tpu.vector_store %arg16[%swap3A_228, %swap3A_229], %mul3A_227 {strides = array<i32>} : memref<64x128xf32, #tpu.memory_space<vmem>>, vector<16xf32>,
        %get3A_231 = arith.index_cast %scan3A_197 : i32 to index
        %get3A_232 = arith.constant 80 : index
        %get3A_233 = tpu.vector_load %arg16[%get3A_231, %get3A_232] {strides = array<i32>} : memref<64x128xf32, #tpu.memory_space<vmem>>, vector<16xf32>,
        %mul3A_234 = arith.mulf %get3A_233, %gather3A : vector<16xf32>
        %swap3A_235 = arith.index_cast %scan3A_197 : i32 to index
        %swap3A_236 = arith.constant 80 : index
        %swap3A_237 = tpu.vector_load %arg16[%swap3A_235, %swap3A_236] {strides = array<i32>} : memref<64x128xf32, #tpu.memory_space<vmem>>, vector<16xf32>,
        tpu.vector_store %arg16[%swap3A_235, %swap3A_236], %mul3A_234 {strides = array<i32>} : memref<64x128xf32, #tpu.memory_space<vmem>>, vector<16xf32>,
        %get3A_238 = arith.index_cast %scan3A_197 : i32 to index
        %get3A_239 = arith.constant 96 : index
        %get3A_240 = tpu.vector_load %arg16[%get3A_238, %get3A_239] {strides = array<i32>} : memref<64x128xf32, #tpu.memory_space<vmem>>, vector<16xf32>,
        %mul3A_241 = arith.mulf %get3A_240, %gather3A : vector<16xf32>
        %swap3A_242 = arith.index_cast %scan3A_197 : i32 to index
        %swap3A_243 = arith.constant 96 : index
        %swap3A_244 = tpu.vector_load %arg16[%swap3A_242, %swap3A_243] {strides = array<i32>} : memref<64x128xf32, #tpu.memory_space<vmem>>, vector<16xf32>,
        tpu.vector_store %arg16[%swap3A_242, %swap3A_243], %mul3A_241 {strides = array<i32>} : memref<64x128xf32, #tpu.memory_space<vmem>>, vector<16xf32>,
        %get3A_245 = arith.index_cast %scan3A_197 : i32 to index
        %get3A_246 = arith.constant 112 : index
        %get3A_247 = tpu.vector_load %arg16[%get3A_245, %get3A_246] {strides = array<i32>} : memref<64x128xf32, #tpu.memory_space<vmem>>, vector<16xf32>,
        %mul3A_248 = arith.mulf %get3A_247, %gather3A : vector<16xf32>
        %swap3A_249 = arith.index_cast %scan3A_197 : i32 to index
        %swap3A_250 = arith.constant 112 : index
        %swap3A_251 = tpu.vector_load %arg16[%swap3A_249, %swap3A_250] {strides = array<i32>} : memref<64x128xf32, #tpu.memory_space<vmem>>, vector<16xf32>,
        tpu.vector_store %arg16[%swap3A_249, %swap3A_250], %mul3A_248 {strides = array<i32>} : memref<64x128xf32, #tpu.memory_space<vmem>>, vector<16xf32>,
      }
      %scan3A_167 = arith.constant 64 : i32
      %dma_start3A_168 = arith.constant 0 : i32
      %dma_start3A_169 = arith.constant 0 : i32
      %dma_start3A_170 = tpu.memref_slice %arg23[%dma_start3A_168, %dma_start3A_169] : memref<10112x128xf32, #tpu.memory_space<vmem_shared>> -> memref<10112x128xf32, #tpu.memory_space<vmem_shared>>
      tpu.enqueue_indirect_dma source(%arg16 : memref<64x128xf32, #tpu.memory_space<vmem>>) target(%dma_start3A_170 : memref<10112x128xf32, #tpu.memory_space<vmem_shared>>) offsets(%arg20 : memref<64xi32, #tpu.memory_space<vmem>>) semaphore(%arg32 : memref<!tpu.dma_semaphore, #tpu.memory_space<semaphore_mem>>) {add = true}
      %dma_start3A_171 = arith.constant 0 : i32
      %dma_start3A_172 = tpu.memref_slice %arg24[%dma_start3A_171] : memref<10112xf32, #tpu.memory_space<vmem_shared>> -> memref<10112xf32, #tpu.memory_space<vmem_shared>>
      tpu.enqueue_indirect_dma source(%arg22 : memref<64xf32, #tpu.memory_space<vmem>>) target(%dma_start3A_172 : memref<10112xf32, #tpu.memory_space<vmem_shared>>) offsets(%arg20 : memref<64xi32, #tpu.memory_space<vmem>>) semaphore(%arg34 : memref<!tpu.dma_semaphore, #tpu.memory_space<semaphore_mem>>) {add = true}
      %dma_wait3A_173 = arith.constant 0 : i32
      %dma_wait3A_174 = arith.constant 0 : i32
      %dma_wait3A_175 = tpu.memref_slice %arg23[%dma_wait3A_173, %dma_wait3A_174] : memref<10112x128xf32, #tpu.memory_space<vmem_shared>> -> memref<10112x128xf32, #tpu.memory_space<vmem_shared>>
      tpu.wait_indirect_dma semaphore(%arg31 : memref<!tpu.dma_semaphore, #tpu.memory_space<semaphore_mem>>) src(%arg15 : memref<64x128xf32, #tpu.memory_space<vmem>>) dst(%dma_wait3A_175 : memref<10112x128xf32, #tpu.memory_space<vmem_shared>>)
      %dma_wait3A_176 = arith.constant 0 : i32
      %dma_wait3A_177 = tpu.memref_slice %arg24[%dma_wait3A_176] : memref<10112xf32, #tpu.memory_space<vmem_shared>> -> memref<10112xf32, #tpu.memory_space<vmem_shared>>
      tpu.wait_indirect_dma semaphore(%arg33 : memref<!tpu.dma_semaphore, #tpu.memory_space<semaphore_mem>>) src(%arg21 : memref<64xf32, #tpu.memory_space<vmem>>) dst(%dma_wait3A_177 : memref<10112xf32, #tpu.memory_space<vmem_shared>>)
      %add3A_178 = arith.constant 2 : i32
      %add3A_179 = arith.addi %mul3A_101, %add3A_178 : i32
      %lt3A_180 = arith.constant 160 : i32
      %lt3A_181 = arith.cmpi slt, %add3A_179, %lt3A_180 : i32
      %convert_element_type3A_182 = arith.extui %lt3A_181 : i1 to i32
      %cond3A_183 = arith.constant 0 : i32
      %cond3A_184 = arith.cmpi ne, %convert_element_type3A_182, %cond3A_183 : i32
      scf.if %cond3A_184 {
        %add3A_197 = arith.constant 2 : i32
        %add3A_198 = arith.addi %mul3A_101, %add3A_197 : i32
        %mul3A_199 = arith.constant 160 : i32
        %mul3A_200 = arith.muli %add3A, %mul3A_199 : i32
        %add3A_201 = arith.addi %mul3A_200, %add3A_198 : i32
        %mul3A_202 = arith.constant 64 : i32
        %mul3A_203 = arith.muli %add3A_201, %mul3A_202 : i32
        %dma_start3A_204 = tpu.memref_slice %arg4[%mul3A_203] : memref<327680xi32, #tpu.memory_space<hbm>> -> memref<64xi32, #tpu.memory_space<hbm>>
        %dma_start3A_205 = tpu.memref_slice %arg4[%mul3A_203] : memref<327680xi32, #tpu.memory_space<hbm>> -> memref<64xi32, #tpu.memory_space<hbm>>
        tpu.enqueue_dma source(%dma_start3A_205 : memref<64xi32, #tpu.memory_space<hbm>>) target(%arg19 : memref<64xi32, #tpu.memory_space<vmem>>) target_semaphore(%arg29 : memref<!tpu.dma_semaphore, #tpu.memory_space<semaphore_mem>>)
        %add3A_206 = arith.constant 2 : i32
        %add3A_207 = arith.addi %mul3A_101, %add3A_206 : i32
        %mul3A_208 = arith.constant 160 : i32
        %mul3A_209 = arith.muli %add3A, %mul3A_208 : i32
        %add3A_210 = arith.addi %mul3A_209, %add3A_207 : i32
        %mul3A_211 = arith.constant 64 : i32
        %mul3A_212 = arith.muli %add3A_210, %mul3A_211 : i32
        %dma_wait3A_213 = tpu.memref_slice %arg2[%mul3A_212] : memref<327680xi32, #tpu.memory_space<hbm>> -> memref<64xi32, #tpu.memory_space<hbm>>
        %dma_wait3A_214 = tpu.memref_slice %arg2[%mul3A_212] : memref<327680xi32, #tpu.memory_space<hbm>> -> memref<64xi32, #tpu.memory_space<hbm>>
        tpu.wait_dma2 semaphore(%arg27 : memref<!tpu.dma_semaphore, #tpu.memory_space<semaphore_mem>>) src(%dma_wait3A_214 : memref<64xi32, #tpu.memory_space<hbm>>) dst(%arg17 : memref<64xi32, #tpu.memory_space<vmem>>)
        %dma_start3A_215 = arith.constant 0 : i32
        %dma_start3A_216 = arith.constant 0 : i32
        %dma_start3A_217 = tpu.memref_slice %arg6[%dma_start3A_215, %dma_start3A_216] : memref<10112x128xf32, #tpu.memory_space<hbm>> -> memref<10112x128xf32, #tpu.memory_space<hbm>>
        tpu.enqueue_indirect_dma source(%dma_start3A_217 : memref<10112x128xf32, #tpu.memory_space<hbm>>) target(%arg15 : memref<64x128xf32, #tpu.memory_space<vmem>>) offsets(%arg17 : memref<64xi32, #tpu.memory_space<vmem>>) semaphore(%arg25 : memref<!tpu.dma_semaphore, #tpu.memory_space<semaphore_mem>>)
      } else {
      }
      %dma_wait3A_185 = arith.constant 0 : i32
      %dma_wait3A_186 = arith.constant 0 : i32
      %dma_wait3A_187 = tpu.memref_slice %arg23[%dma_wait3A_185, %dma_wait3A_186] : memref<10112x128xf32, #tpu.memory_space<vmem_shared>> -> memref<10112x128xf32, #tpu.memory_space<vmem_shared>>
      tpu.wait_indirect_dma semaphore(%arg32 : memref<!tpu.dma_semaphore, #tpu.memory_space<semaphore_mem>>) src(%arg16 : memref<64x128xf32, #tpu.memory_space<vmem>>) dst(%dma_wait3A_187 : memref<10112x128xf32, #tpu.memory_space<vmem_shared>>)
      %dma_wait3A_188 = arith.constant 0 : i32
      %dma_wait3A_189 = tpu.memref_slice %arg24[%dma_wait3A_188] : memref<10112xf32, #tpu.memory_space<vmem_shared>> -> memref<10112xf32, #tpu.memory_space<vmem_shared>>
      tpu.wait_indirect_dma semaphore(%arg34 : memref<!tpu.dma_semaphore, #tpu.memory_space<semaphore_mem>>) src(%arg22 : memref<64xf32, #tpu.memory_space<vmem>>) dst(%dma_wait3A_189 : memref<10112xf32, #tpu.memory_space<vmem_shared>>)
      %add3A_190 = arith.constant 3 : i32
      %add3A_191 = arith.addi %mul3A_101, %add3A_190 : i32
      %lt3A_192 = arith.constant 160 : i32
      %lt3A_193 = arith.cmpi slt, %add3A_191, %lt3A_192 : i32
      %convert_element_type3A_194 = arith.extui %lt3A_193 : i1 to i32
      %cond3A_195 = arith.constant 0 : i32
      %cond3A_196 = arith.cmpi ne, %convert_element_type3A_194, %cond3A_195 : i32
      scf.if %cond3A_196 {
        %add3A_197 = arith.constant 3 : i32
        %add3A_198 = arith.addi %mul3A_101, %add3A_197 : i32
        %mul3A_199 = arith.constant 160 : i32
        %mul3A_200 = arith.muli %add3A, %mul3A_199 : i32
        %add3A_201 = arith.addi %mul3A_200, %add3A_198 : i32
        %mul3A_202 = arith.constant 64 : i32
        %mul3A_203 = arith.muli %add3A_201, %mul3A_202 : i32
        %sub3A_204 = arith.constant 64 : i32
        %sub3A_205 = arith.subi %mul3A_203, %sub3A_204 : i32
        %dma_start3A_206 = tpu.memref_slice %arg5[%sub3A_205] : memref<327680xi32, #tpu.memory_space<hbm>> -> memref<64xi32, #tpu.memory_space<hbm>>
        %dma_start3A_207 = tpu.memref_slice %arg5[%sub3A_205] : memref<327680xi32, #tpu.memory_space<hbm>> -> memref<64xi32, #tpu.memory_space<hbm>>
        tpu.enqueue_dma source(%dma_start3A_207 : memref<64xi32, #tpu.memory_space<hbm>>) target(%arg20 : memref<64xi32, #tpu.memory_space<vmem>>) target_semaphore(%arg30 : memref<!tpu.dma_semaphore, #tpu.memory_space<semaphore_mem>>)
        %add3A_208 = arith.constant 3 : i32
        %add3A_209 = arith.addi %mul3A_101, %add3A_208 : i32
        %mul3A_210 = arith.constant 160 : i32
        %mul3A_211 = arith.muli %add3A, %mul3A_210 : i32
        %add3A_212 = arith.addi %mul3A_211, %add3A_209 : i32
        %mul3A_213 = arith.constant 64 : i32
        %mul3A_214 = arith.muli %add3A_212, %mul3A_213 : i32
        %sub3A_215 = arith.constant 64 : i32
        %sub3A_216 = arith.subi %mul3A_214, %sub3A_215 : i32
        %dma_wait3A_217 = tpu.memref_slice %arg3[%sub3A_216] : memref<327680xi32, #tpu.memory_space<hbm>> -> memref<64xi32, #tpu.memory_space<hbm>>
        %dma_wait3A_218 = tpu.memref_slice %arg3[%sub3A_216] : memref<327680xi32, #tpu.memory_space<hbm>> -> memref<64xi32, #tpu.memory_space<hbm>>
        tpu.wait_dma2 semaphore(%arg28 : memref<!tpu.dma_semaphore, #tpu.memory_space<semaphore_mem>>) src(%dma_wait3A_218 : memref<64xi32, #tpu.memory_space<hbm>>) dst(%arg18 : memref<64xi32, #tpu.memory_space<vmem>>)
        %dma_start3A_219 = arith.constant 0 : i32
        %dma_start3A_220 = arith.constant 0 : i32
        %dma_start3A_221 = tpu.memref_slice %arg6[%dma_start3A_219, %dma_start3A_220] : memref<10112x128xf32, #tpu.memory_space<hbm>> -> memref<10112x128xf32, #tpu.memory_space<hbm>>
        tpu.enqueue_indirect_dma source(%dma_start3A_221 : memref<10112x128xf32, #tpu.memory_space<hbm>>) target(%arg16 : memref<64x128xf32, #tpu.memory_space<vmem>>) offsets(%arg18 : memref<64xi32, #tpu.memory_space<vmem>>) semaphore(%arg26 : memref<!tpu.dma_semaphore, #tpu.memory_space<semaphore_mem>>)
      } else {
      }
    }
    %scan3A_85 = arith.constant 80 : i32
    %barrier3A_86 = arith.constant 0 : index
    tpu.barrier barrier_id(%barrier3A_86)
    %mul3A_87 = arith.constant 632 : i32
    %mul3A_88 = arith.muli %arg1, %mul3A_87 : i32
    %mul3A_89 = arith.constant 10112 : i32
    %mul3A_90 = arith.muli %arg0, %mul3A_89 : i32
    %mul3A_91 = arith.constant 632 : i32
    %mul3A_92 = arith.muli %arg1, %mul3A_91 : i32
    %add3A_93 = arith.addi %mul3A_90, %mul3A_92 : i32
    "tpu.region"() ({
      %run_scoped3A = tpu.sem_alloc : memref<!tpu.dma_semaphore, #tpu.memory_space<semaphore_mem>>
      %dma_start3A_99 = arith.constant 0 : i32
      %dma_start3A_100 = tpu.memref_slice %arg11[%add3A_93, %dma_start3A_99] : memref<20224x128xf32, #tpu.memory_space<hbm>> -> memref<632x128xf32, #tpu.memory_space<hbm>>
      %dma_start3A_101 = arith.constant 0 : i32
      %dma_start3A_102 = tpu.memref_slice %arg23[%mul3A_88, %dma_start3A_101] : memref<10112x128xf32, #tpu.memory_space<vmem_shared>> -> memref<632x128xf32, #tpu.memory_space<vmem_shared>>
      tpu.enqueue_dma source(%dma_start3A_102 : memref<632x128xf32, #tpu.memory_space<vmem_shared>>) target(%dma_start3A_100 : memref<632x128xf32, #tpu.memory_space<hbm>>) target_semaphore(%run_scoped3A : memref<!tpu.dma_semaphore, #tpu.memory_space<semaphore_mem>>)
      %dma_wait3A_103 = arith.constant 0 : i32
      %dma_wait3A_104 = tpu.memref_slice %arg11[%add3A_93, %dma_wait3A_103] : memref<20224x128xf32, #tpu.memory_space<hbm>> -> memref<632x128xf32, #tpu.memory_space<hbm>>
      %dma_wait3A_105 = arith.constant 0 : i32
      %dma_wait3A_106 = tpu.memref_slice %arg23[%mul3A_88, %dma_wait3A_105] : memref<10112x128xf32, #tpu.memory_space<vmem_shared>> -> memref<632x128xf32, #tpu.memory_space<vmem_shared>>
      tpu.wait_dma2 semaphore(%run_scoped3A : memref<!tpu.dma_semaphore, #tpu.memory_space<semaphore_mem>>) src(%dma_wait3A_106 : memref<632x128xf32, #tpu.memory_space<vmem_shared>>) dst(%dma_wait3A_104 : memref<632x128xf32, #tpu.memory_space<hbm>>)
      tpu.yield
    }) : () -> ()
    %eq3A_94 = arith.constant 0 : i32
    %eq3A_95 = arith.cmpi eq, %arg1, %eq3A_94 : i32
    %convert_element_type3A_96 = arith.extui %eq3A_95 : i1 to i32
    %cond3A_97 = arith.constant 0 : i32
    %cond3A_98 = arith.cmpi ne, %convert_element_type3A_96, %cond3A_97 : i32
    scf.if %cond3A_98 {
      %mul3A_99 = arith.constant 10112 : i32
      %mul3A_100 = arith.muli %arg0, %mul3A_99 : i32
      "tpu.region"() ({
        %run_scoped3A = tpu.sem_alloc : memref<!tpu.dma_semaphore, #tpu.memory_space<semaphore_mem>>
        %dma_start3A_101 = tpu.memref_slice %arg12[%mul3A_100] : memref<20224xf32, #tpu.memory_space<hbm>> -> memref<10112xf32, #tpu.memory_space<hbm>>
        tpu.enqueue_dma source(%arg24 : memref<10112xf32, #tpu.memory_space<vmem_shared>>) target(%dma_start3A_101 : memref<10112xf32, #tpu.memory_space<hbm>>) target_semaphore(%run_scoped3A : memref<!tpu.dma_semaphore, #tpu.memory_space<semaphore_mem>>)
        %dma_wait3A_102 = tpu.memref_slice %arg12[%mul3A_100] : memref<20224xf32, #tpu.memory_space<hbm>> -> memref<10112xf32, #tpu.memory_space<hbm>>
        tpu.wait_dma2 semaphore(%run_scoped3A : memref<!tpu.dma_semaphore, #tpu.memory_space<semaphore_mem>>) src(%arg24 : memref<10112xf32, #tpu.memory_space<vmem_shared>>) dst(%dma_wait3A_102 : memref<10112xf32, #tpu.memory_space<hbm>>)
        tpu.yield
      }) : () -> ()
    } else {
    }
    return
  }
}

module attributes {stable_mosaic.version = 14 : i64} {
  func.func @_pre_body(%arg0: memref<10000x128xf32, #tpu.memory_space<vmem>>, %arg1: memref<128x128xf32, #tpu.memory_space<vmem>>, %arg2: memref<1x128xf32, #tpu.memory_space<vmem>>, %arg3: memref<1x128xf32, #tpu.memory_space<vmem>>, %arg4: memref<10112x128xf32, #tpu.memory_space<vmem>>, %arg5: memref<10112xf32, #tpu.memory_space<vmem>>, %arg6: memref<10112xf32, #tpu.memory_space<vmem>>, %arg7: memref<10000x128xf32, #tpu.memory_space<vmem>>, %arg8: memref<10000xf32, #tpu.memory_space<vmem>>) attributes {dimension_semantics = [], scalar_prefetch = 0 : i64, scratch_operands = 0 : i64, tpu.core_type = #tpu.core_type<tc>} {
    %get3A = arith.constant 0 : index
    %get3A_0 = arith.constant 0 : index
    %get3A_1 = vector.load %arg0[%get3A, %get3A_0] : memref<10000x128xf32, #tpu.memory_space<vmem>>, vector<10000x128xf32>
    %get3A_2 = arith.constant 0 : index
    %get3A_3 = arith.constant 0 : index
    %get3A_4 = vector.load %arg1[%get3A_2, %get3A_3] : memref<128x128xf32, #tpu.memory_space<vmem>>, vector<128x128xf32>
    %dot_general3A = arith.constant dense<0.000000e+00> : vector<10000x128xf32>
    %dot_general3A_5 = tpu.matmul %get3A_1, %get3A_4, %dot_general3A {dimension_numbers = #tpu.dot_dimension_numbers<[1], [0], [0], [1], [0, 0, 1, 1], [], []>, transpose_lhs_hint = false} : vector<10000x128xf32>, vector<128x128xf32>, vector<10000x128xf32> -> vector<10000x128xf32>
    %broadcast_in_dim3A = arith.constant 0.000000e+00 : f32
    %broadcast_in_dim3A_6 = vector.broadcast %broadcast_in_dim3A : f32 to vector<112x128xf32>
    %concatenate3A = tpu.concatenate %dot_general3A_5, %broadcast_in_dim3A_6 in 0 : vector<10000x128xf32>, vector<112x128xf32> -> vector<10112x128xf32>
    %get3A_7 = arith.constant 0 : index
    %get3A_8 = arith.constant 0 : index
    %get3A_9 = vector.load %arg2[%get3A_7, %get3A_8] : memref<1x128xf32, #tpu.memory_space<vmem>>, vector<1x128xf32>
    %get3A_10 = arith.constant 0 : index
    %get3A_11 = arith.constant 0 : index
    %get3A_12 = vector.load %arg3[%get3A_10, %get3A_11] : memref<1x128xf32, #tpu.memory_space<vmem>>, vector<1x128xf32>
    %mul3A = vector.broadcast %get3A_9 : vector<1x128xf32> to vector<10112x128xf32>
    %mul3A_13 = arith.mulf %concatenate3A, %mul3A : vector<10112x128xf32>
    %reduce_sum3A = arith.constant dense<0.000000e+00> : vector<10112xf32>
    %reduce_sum3A_14 = vector.multi_reduction <add>, %mul3A_13, %reduce_sum3A [1] : vector<10112x128xf32> to vector<10112xf32>
    %mul3A_15 = vector.broadcast %get3A_12 : vector<1x128xf32> to vector<10112x128xf32>
    %mul3A_16 = arith.mulf %concatenate3A, %mul3A_15 : vector<10112x128xf32>
    %reduce_sum3A_17 = arith.constant dense<0.000000e+00> : vector<10112xf32>
    %reduce_sum3A_18 = vector.multi_reduction <add>, %mul3A_16, %reduce_sum3A_17 [1] : vector<10112x128xf32> to vector<10112xf32>
    %slice3A = vector.extract_strided_slice %reduce_sum3A_14 {offsets = [0], sizes = [10000], strides = [1]} : vector<10112xf32> to vector<10000xf32>
    %slice3A_19 = vector.extract_strided_slice %reduce_sum3A_18 {offsets = [0], sizes = [10000], strides = [1]} : vector<10112xf32> to vector<10000xf32>
    %add3A = arith.addf %slice3A, %slice3A_19 : vector<10000xf32>
    %ge3A = arith.constant 0.000000e+00 : f32
    %ge3A_20 = vector.broadcast %ge3A : f32 to vector<10000xf32>
    %ge3A_21 = arith.cmpf oge, %add3A, %ge3A_20 : vector<10000xf32>
    %mul3A_22 = arith.constant 2.000000e-01 : f32
    %mul3A_23 = vector.broadcast %mul3A_22 : f32 to vector<10000xf32>
    %mul3A_24 = arith.mulf %mul3A_23, %add3A : vector<10000xf32>
    %select_n3A = arith.select %ge3A_21, %add3A, %mul3A_24 : vector<10000xi1>, vector<10000xf32>
    %exp3A = math.exp %select_n3A : vector<10000xf32>
    %swap3A = arith.constant 0 : index
    %swap3A_25 = arith.constant 0 : index
    %swap3A_26 = vector.load %arg4[%swap3A, %swap3A_25] : memref<10112x128xf32, #tpu.memory_space<vmem>>, vector<10112x128xf32>
    tpu.vector_store %arg4[%swap3A, %swap3A_25], %concatenate3A {strides = array<i32>} : memref<10112x128xf32, #tpu.memory_space<vmem>>, vector<10112x128xf32>,
    %swap3A_27 = arith.constant 0 : index
    %swap3A_28 = vector.load %arg5[%swap3A_27] : memref<10112xf32, #tpu.memory_space<vmem>>, vector<10112xf32>
    tpu.vector_store %arg5[%swap3A_27], %reduce_sum3A_14 {strides = array<i32>} : memref<10112xf32, #tpu.memory_space<vmem>>, vector<10112xf32>,
    %swap3A_29 = arith.constant 0 : index
    %swap3A_30 = vector.load %arg6[%swap3A_29] : memref<10112xf32, #tpu.memory_space<vmem>>, vector<10112xf32>
    tpu.vector_store %arg6[%swap3A_29], %reduce_sum3A_18 {strides = array<i32>} : memref<10112xf32, #tpu.memory_space<vmem>>, vector<10112xf32>,
    %broadcast_in_dim3A_31 = vector.shape_cast %exp3A : vector<10000xf32> to vector<10000x1xf32>
    %mul3A_32 = vector.broadcast %broadcast_in_dim3A_31 : vector<10000x1xf32> to vector<10000x128xf32>
    %mul3A_33 = arith.mulf %dot_general3A_5, %mul3A_32 : vector<10000x128xf32>
    %swap3A_34 = arith.constant 0 : index
    %swap3A_35 = arith.constant 0 : index
    %swap3A_36 = vector.load %arg7[%swap3A_34, %swap3A_35] : memref<10000x128xf32, #tpu.memory_space<vmem>>, vector<10000x128xf32>
    tpu.vector_store %arg7[%swap3A_34, %swap3A_35], %mul3A_33 {strides = array<i32>} : memref<10000x128xf32, #tpu.memory_space<vmem>>, vector<10000x128xf32>,
    %swap3A_37 = arith.constant 0 : index
    %swap3A_38 = vector.load %arg8[%swap3A_37] : memref<10000xf32, #tpu.memory_space<vmem>>, vector<10000xf32>
    tpu.vector_store %arg8[%swap3A_37], %exp3A {strides = array<i32>} : memref<10000xf32, #tpu.memory_space<vmem>>, vector<10000xf32>,
    return
  }
}

module attributes {stable_mosaic.version = 14 : i64} {
  func.func @_mid_body(%arg0: memref<10000x128xf32, #tpu.memory_space<vmem>>, %arg1: memref<10000x128xf32, #tpu.memory_space<vmem>>, %arg2: memref<10000x128xf32, #tpu.memory_space<vmem>>, %arg3: memref<10000xf32, #tpu.memory_space<vmem>>, %arg4: memref<10000xf32, #tpu.memory_space<vmem>>, %arg5: memref<10000xf32, #tpu.memory_space<vmem>>, %arg6: memref<1x128xf32, #tpu.memory_space<vmem>>, %arg7: memref<128x128xf32, #tpu.memory_space<vmem>>, %arg8: memref<1x128xf32, #tpu.memory_space<vmem>>, %arg9: memref<1x128xf32, #tpu.memory_space<vmem>>, %arg10: memref<10112x128xf32, #tpu.memory_space<vmem>>, %arg11: memref<10112xf32, #tpu.memory_space<vmem>>, %arg12: memref<10112xf32, #tpu.memory_space<vmem>>, %arg13: memref<10000x128xf32, #tpu.memory_space<vmem>>, %arg14: memref<10000xf32, #tpu.memory_space<vmem>>) attributes {dimension_semantics = [], scalar_prefetch = 0 : i64, scratch_operands = 0 : i64, tpu.core_type = #tpu.core_type<tc>} {
    %get3A = arith.constant 0 : index
    %get3A_0 = vector.load %arg3[%get3A] : memref<10000xf32, #tpu.memory_space<vmem>>, vector<10000xf32>
    %get3A_1 = arith.constant 0 : index
    %get3A_2 = vector.load %arg4[%get3A_1] : memref<10000xf32, #tpu.memory_space<vmem>>, vector<10000xf32>
    %add3A = arith.addf %get3A_0, %get3A_2 : vector<10000xf32>
    %get3A_3 = arith.constant 0 : index
    %get3A_4 = vector.load %arg5[%get3A_3] : memref<10000xf32, #tpu.memory_space<vmem>>, vector<10000xf32>
    %add3A_5 = arith.addf %add3A, %get3A_4 : vector<10000xf32>
    %add3A_6 = arith.constant 1.000000e-16 : f32
    %add3A_7 = vector.broadcast %add3A_6 : f32 to vector<10000xf32>
    %add3A_8 = arith.addf %add3A_5, %add3A_7 : vector<10000xf32>
    %get3A_9 = arith.constant 0 : index
    %get3A_10 = arith.constant 0 : index
    %get3A_11 = vector.load %arg0[%get3A_9, %get3A_10] : memref<10000x128xf32, #tpu.memory_space<vmem>>, vector<10000x128xf32>
    %get3A_12 = arith.constant 0 : index
    %get3A_13 = arith.constant 0 : index
    %get3A_14 = vector.load %arg1[%get3A_12, %get3A_13] : memref<10000x128xf32, #tpu.memory_space<vmem>>, vector<10000x128xf32>
    %add3A_15 = arith.addf %get3A_11, %get3A_14 : vector<10000x128xf32>
    %get3A_16 = arith.constant 0 : index
    %get3A_17 = arith.constant 0 : index
    %get3A_18 = vector.load %arg2[%get3A_16, %get3A_17] : memref<10000x128xf32, #tpu.memory_space<vmem>>, vector<10000x128xf32>
    %add3A_19 = arith.addf %add3A_15, %get3A_18 : vector<10000x128xf32>
    %broadcast_in_dim3A = vector.shape_cast %add3A_8 : vector<10000xf32> to vector<10000x1xf32>
    %div3A = vector.broadcast %broadcast_in_dim3A : vector<10000x1xf32> to vector<10000x128xf32>
    %div3A_20 = arith.divf %add3A_19, %div3A : vector<10000x128xf32>
    %get3A_21 = arith.constant 0 : index
    %get3A_22 = arith.constant 0 : index
    %get3A_23 = vector.load %arg6[%get3A_21, %get3A_22] : memref<1x128xf32, #tpu.memory_space<vmem>>, vector<1x128xf32>
    %add3A_24 = vector.broadcast %get3A_23 : vector<1x128xf32> to vector<10000x128xf32>
    %add3A_25 = arith.addf %div3A_20, %add3A_24 : vector<10000x128xf32>
    %max3A = arith.constant 0.000000e+00 : f32
    %max3A_26 = vector.broadcast %max3A : f32 to vector<10000x128xf32>
    %max3A_27 = arith.maximumf %add3A_25, %max3A_26 : vector<10000x128xf32>
    %get3A_28 = arith.constant 0 : index
    %get3A_29 = arith.constant 0 : index
    %get3A_30 = vector.load %arg7[%get3A_28, %get3A_29] : memref<128x128xf32, #tpu.memory_space<vmem>>, vector<128x128xf32>
    %dot_general3A = arith.constant dense<0.000000e+00> : vector<10000x128xf32>
    %dot_general3A_31 = tpu.matmul %max3A_27, %get3A_30, %dot_general3A {dimension_numbers = #tpu.dot_dimension_numbers<[1], [0], [0], [1], [0, 0, 1, 1], [], []>, transpose_lhs_hint = false} : vector<10000x128xf32>, vector<128x128xf32>, vector<10000x128xf32> -> vector<10000x128xf32>
    %broadcast_in_dim3A_32 = arith.constant 0.000000e+00 : f32
    %broadcast_in_dim3A_33 = vector.broadcast %broadcast_in_dim3A_32 : f32 to vector<112x128xf32>
    %concatenate3A = tpu.concatenate %dot_general3A_31, %broadcast_in_dim3A_33 in 0 : vector<10000x128xf32>, vector<112x128xf32> -> vector<10112x128xf32>
    %get3A_34 = arith.constant 0 : index
    %get3A_35 = arith.constant 0 : index
    %get3A_36 = vector.load %arg8[%get3A_34, %get3A_35] : memref<1x128xf32, #tpu.memory_space<vmem>>, vector<1x128xf32>
    %get3A_37 = arith.constant 0 : index
    %get3A_38 = arith.constant 0 : index
    %get3A_39 = vector.load %arg9[%get3A_37, %get3A_38] : memref<1x128xf32, #tpu.memory_space<vmem>>, vector<1x128xf32>
    %mul3A = vector.broadcast %get3A_36 : vector<1x128xf32> to vector<10112x128xf32>
    %mul3A_40 = arith.mulf %concatenate3A, %mul3A : vector<10112x128xf32>
    %reduce_sum3A = arith.constant dense<0.000000e+00> : vector<10112xf32>
    %reduce_sum3A_41 = vector.multi_reduction <add>, %mul3A_40, %reduce_sum3A [1] : vector<10112x128xf32> to vector<10112xf32>
    %mul3A_42 = vector.broadcast %get3A_39 : vector<1x128xf32> to vector<10112x128xf32>
    %mul3A_43 = arith.mulf %concatenate3A, %mul3A_42 : vector<10112x128xf32>
    %reduce_sum3A_44 = arith.constant dense<0.000000e+00> : vector<10112xf32>
    %reduce_sum3A_45 = vector.multi_reduction <add>, %mul3A_43, %reduce_sum3A_44 [1] : vector<10112x128xf32> to vector<10112xf32>
    %slice3A = vector.extract_strided_slice %reduce_sum3A_41 {offsets = [0], sizes = [10000], strides = [1]} : vector<10112xf32> to vector<10000xf32>
    %slice3A_46 = vector.extract_strided_slice %reduce_sum3A_45 {offsets = [0], sizes = [10000], strides = [1]} : vector<10112xf32> to vector<10000xf32>
    %add3A_47 = arith.addf %slice3A, %slice3A_46 : vector<10000xf32>
    %ge3A = arith.constant 0.000000e+00 : f32
    %ge3A_48 = vector.broadcast %ge3A : f32 to vector<10000xf32>
    %ge3A_49 = arith.cmpf oge, %add3A_47, %ge3A_48 : vector<10000xf32>
    %mul3A_50 = arith.constant 2.000000e-01 : f32
    %mul3A_51 = vector.broadcast %mul3A_50 : f32 to vector<10000xf32>
    %mul3A_52 = arith.mulf %mul3A_51, %add3A_47 : vector<10000xf32>
    %select_n3A = arith.select %ge3A_49, %add3A_47, %mul3A_52 : vector<10000xi1>, vector<10000xf32>
    %exp3A = math.exp %select_n3A : vector<10000xf32>
    %swap3A = arith.constant 0 : index
    %swap3A_53 = arith.constant 0 : index
    %swap3A_54 = vector.load %arg10[%swap3A, %swap3A_53] : memref<10112x128xf32, #tpu.memory_space<vmem>>, vector<10112x128xf32>
    tpu.vector_store %arg10[%swap3A, %swap3A_53], %concatenate3A {strides = array<i32>} : memref<10112x128xf32, #tpu.memory_space<vmem>>, vector<10112x128xf32>,
    %swap3A_55 = arith.constant 0 : index
    %swap3A_56 = vector.load %arg11[%swap3A_55] : memref<10112xf32, #tpu.memory_space<vmem>>, vector<10112xf32>
    tpu.vector_store %arg11[%swap3A_55], %reduce_sum3A_41 {strides = array<i32>} : memref<10112xf32, #tpu.memory_space<vmem>>, vector<10112xf32>,
    %swap3A_57 = arith.constant 0 : index
    %swap3A_58 = vector.load %arg12[%swap3A_57] : memref<10112xf32, #tpu.memory_space<vmem>>, vector<10112xf32>
    tpu.vector_store %arg12[%swap3A_57], %reduce_sum3A_45 {strides = array<i32>} : memref<10112xf32, #tpu.memory_space<vmem>>, vector<10112xf32>,
    %broadcast_in_dim3A_59 = vector.shape_cast %exp3A : vector<10000xf32> to vector<10000x1xf32>
    %mul3A_60 = vector.broadcast %broadcast_in_dim3A_59 : vector<10000x1xf32> to vector<10000x128xf32>
    %mul3A_61 = arith.mulf %dot_general3A_31, %mul3A_60 : vector<10000x128xf32>
    %swap3A_62 = arith.constant 0 : index
    %swap3A_63 = arith.constant 0 : index
    %swap3A_64 = vector.load %arg13[%swap3A_62, %swap3A_63] : memref<10000x128xf32, #tpu.memory_space<vmem>>, vector<10000x128xf32>
    tpu.vector_store %arg13[%swap3A_62, %swap3A_63], %mul3A_61 {strides = array<i32>} : memref<10000x128xf32, #tpu.memory_space<vmem>>, vector<10000x128xf32>,
    %swap3A_65 = arith.constant 0 : index
    %swap3A_66 = vector.load %arg14[%swap3A_65] : memref<10000xf32, #tpu.memory_space<vmem>>, vector<10000xf32>
    tpu.vector_store %arg14[%swap3A_65], %exp3A {strides = array<i32>} : memref<10000xf32, #tpu.memory_space<vmem>>, vector<10000xf32>,
    return
  }
}

module attributes {stable_mosaic.version = 14 : i64} {
  func.func @_fin_body(%arg0: memref<10000x128xf32, #tpu.memory_space<vmem>>, %arg1: memref<10000x128xf32, #tpu.memory_space<vmem>>, %arg2: memref<10000x128xf32, #tpu.memory_space<vmem>>, %arg3: memref<10000xf32, #tpu.memory_space<vmem>>, %arg4: memref<10000xf32, #tpu.memory_space<vmem>>, %arg5: memref<10000xf32, #tpu.memory_space<vmem>>, %arg6: memref<1x128xf32, #tpu.memory_space<vmem>>, %arg7: memref<10000x128xf32, #tpu.memory_space<vmem>>) attributes {dimension_semantics = [], scalar_prefetch = 0 : i64, scratch_operands = 0 : i64, tpu.core_type = #tpu.core_type<tc>} {
    %get3A = arith.constant 0 : index
    %get3A_0 = vector.load %arg3[%get3A] : memref<10000xf32, #tpu.memory_space<vmem>>, vector<10000xf32>
    %get3A_1 = arith.constant 0 : index
    %get3A_2 = vector.load %arg4[%get3A_1] : memref<10000xf32, #tpu.memory_space<vmem>>, vector<10000xf32>
    %add3A = arith.addf %get3A_0, %get3A_2 : vector<10000xf32>
    %get3A_3 = arith.constant 0 : index
    %get3A_4 = vector.load %arg5[%get3A_3] : memref<10000xf32, #tpu.memory_space<vmem>>, vector<10000xf32>
    %add3A_5 = arith.addf %add3A, %get3A_4 : vector<10000xf32>
    %add3A_6 = arith.constant 1.000000e-16 : f32
    %add3A_7 = vector.broadcast %add3A_6 : f32 to vector<10000xf32>
    %add3A_8 = arith.addf %add3A_5, %add3A_7 : vector<10000xf32>
    %get3A_9 = arith.constant 0 : index
    %get3A_10 = arith.constant 0 : index
    %get3A_11 = vector.load %arg0[%get3A_9, %get3A_10] : memref<10000x128xf32, #tpu.memory_space<vmem>>, vector<10000x128xf32>
    %get3A_12 = arith.constant 0 : index
    %get3A_13 = arith.constant 0 : index
    %get3A_14 = vector.load %arg1[%get3A_12, %get3A_13] : memref<10000x128xf32, #tpu.memory_space<vmem>>, vector<10000x128xf32>
    %add3A_15 = arith.addf %get3A_11, %get3A_14 : vector<10000x128xf32>
    %get3A_16 = arith.constant 0 : index
    %get3A_17 = arith.constant 0 : index
    %get3A_18 = vector.load %arg2[%get3A_16, %get3A_17] : memref<10000x128xf32, #tpu.memory_space<vmem>>, vector<10000x128xf32>
    %add3A_19 = arith.addf %add3A_15, %get3A_18 : vector<10000x128xf32>
    %broadcast_in_dim3A = vector.shape_cast %add3A_8 : vector<10000xf32> to vector<10000x1xf32>
    %div3A = vector.broadcast %broadcast_in_dim3A : vector<10000x1xf32> to vector<10000x128xf32>
    %div3A_20 = arith.divf %add3A_19, %div3A : vector<10000x128xf32>
    %get3A_21 = arith.constant 0 : index
    %get3A_22 = arith.constant 0 : index
    %get3A_23 = vector.load %arg6[%get3A_21, %get3A_22] : memref<1x128xf32, #tpu.memory_space<vmem>>, vector<1x128xf32>
    %add3A_24 = vector.broadcast %get3A_23 : vector<1x128xf32> to vector<10000x128xf32>
    %add3A_25 = arith.addf %div3A_20, %add3A_24 : vector<10000x128xf32>
    %swap3A = arith.constant 0 : index
    %swap3A_26 = arith.constant 0 : index
    %swap3A_27 = vector.load %arg7[%swap3A, %swap3A_26] : memref<10000x128xf32, #tpu.memory_space<vmem>>, vector<10000x128xf32>
    tpu.vector_store %arg7[%swap3A, %swap3A_26], %add3A_25 {strides = array<i32>} : memref<10000x128xf32, #tpu.memory_space<vmem>>, vector<10000x128xf32>,
    return
  }
}

</mosaic_0001>

<sc_bundles>
// kernel: kernel.10.cloned.1.call-start
scs
__scs_entry_jumppad:
0x0: {  	(pc) =	sbr.rel $0x88, $3  }
0x1: {  	(tag) =	ssettag $0x0;
	lr =	simm.s32 $0x1  }
0x2: {  	[smem:$0x3F97] =	sst lr;
	_ =	strace $0xD0000000  }
0x3: {  	_ = 	snop  }
0x4: {  	_ = 	snop  }
0x5: {  	_ = 	snop  }
0x6: {  	_ = 	snop  }
0x7: {  	_ = 	snop  }
__scs_overlays_trampoline_lowered:
0x8: {  	[smem:$0x3FA6] =	sst s0  }
0x9: {  	[smem:$0x3FA7] =	sst s1  }
0xa: {  	[smem:$0x3FA8] =	sst s2  }
0xb: {  	[smem:$0x3FA9] =	sst s3  }
0xc: {  	[smem:$0x3FAA] =	sst s4  }
0xd: {  	[smem:$0x3FAB] =	sst s5  }
0xe: {  	[smem:$0x3FAC] =	sst s6  }
0xf: {  	[smem:$0x3FAD] =	sst s7  }
0x10: {  	[smem:$0x3FAE] =	sst s8  }
0x11: {  	[smem:$0x3FAF] =	sst s9;
	s0 =	simm.s32 @!p0 $0x0  }
0x12: {  	s1 =	sld [smem:$0x3F95];
	s0 =	simm.s32 @p0 $0x1  }
0x13: {  	[smem:$0x3FB0] =	sst s0;
	s0 =	simm.s32 @!p1 $0x0  }
0x14: {  	s2 =	sld [smem:$0x3F94];
	s0 =	simm.s32 @p1 $0x1  }
0x15: {  	[smem:$0x3FB1] =	sst s0;
	s0 =	simm.s32 @!p2 $0x0  }
0x16: {  	s3 =	sld [smem:$0x3FDB];
	s0 =	simm.s32 @p2 $0x1  }
0x17: {  	s4 =	simm.s32 $0x1BF5;
	[smem:$0x3FB3] =	sst s0  }
0x18: {  	s0 =	sld [smem:$0x3F96];
	_ =	swait.ge [sflag:s4], $0x0  }
0x19: {  	s7 =	sld [smem:$0x3F97]  }
0x1a: {  	s8 =	sadd.s32 $0xFFFFE003, lr  }
0x1b: {  	s9 =	sadd.s32 $0xFFFFFEF7, lr;
	s5 =	simm.s32 $0xFFFFFFFF;
	p2 =	slt.u32 s8, $0xFFFFF086  }
0x1c: {  	p1 =	slt.u32 s9, $0xF7A;
	s5 =	simm.s32 @!p2 $0x0  }
0x1d: {  	s5 =	simm.s32 @p1 $0x1;
	p0 =	seq.s32 s7, s2  }
0x1e: {  	s7 =	smul.u32 @!p0 $0xF7A, s2;
	p2 =	seq.s32 @!p0 s5, $0x0  }
0x1f: {  	s9 =	smul.u32 $0xF7A, s1;
	s8 =	simm.s32 @!p0 $0x1BF5;
	p2 =	por !p2, p0  }
0x20: {  	[sflag:s8] =	ssyncset.s32 @!p0 $0xFFFFF086;
	s6 =	sadd.s32 @!p0 s3, s7;
	s7 =	simm.s32 @!p0 $0x108  }
0x21: {  	s3 =	sadd.s32 s3, s9;
	s6 =	sadd.s32 @!p0 $0x88, s6;
	s7 =	simm.s32 @p2 $0x1082  }
0x22: {  	[simem:s7], [sflag:s8] =	dma.local @!p0 [hbm:s6], $0xF7A  }
0x23: {  	s9 =	sor.u32 $0xD0000000, s2;
	s6 =	simm.s32 $0x108;
	_ =	swait.ge @!p0 [sflag:s8], $0x0  }
0x24: {  	s3 =	sadd.s32 $0x88, s3;
	s6 =	simm.s32 @!p1 $0x1082;
	[sflag:s4] =	ssyncset.s32 $0xFFFFF086  }
0x25: {  	[simem:s6], [sflag:s4] =	dma.local [hbm:s3], $0xF7A  }
0x26: {  	[smem:$0x3F97] =	sst s1;
	(tag) =	ssettag s2;
	_ =	strace s9  }
0x27: {  	s1 =	sld [smem:$0x3FA7]  }
0x28: {  	s2 =	sld [smem:$0x3FA8]  }
0x29: {  	s4 =	sld [smem:$0x3FAA]  }
0x2a: {  	p0 =	seq.s32 s5, $0x0;
	s5 =	sld [smem:$0x3FAB]  }
0x2b: {  	s6 =	sld [smem:$0x3FAC]  }
0x2c: {  	s7 =	sld [smem:$0x3FAD]  }
0x2d: {  	s3 =	simm.s32 $0x108;
	s8 =	sld [smem:$0x3FAE]  }
0x2e: {  	s3 =	simm.s32 @!p0 $0x1082;
	s9 =	sld [smem:$0x3FAF]  }
0x2f: {  	lr =	sadd.s32 s0, s3;
	s0 =	sld [smem:$0x3FA6]  }
0x30: {  	s3 =	sld [smem:$0x3FA9]  }
0x31: {  	[smem:$0x3FB2] =	sst s10  }
0x32: {  	s10 =	sld [smem:$0x3FB0];
	_ =	sdelay $0x3  }
0x33: {  	p0 =	seq.s32 s10, $0x1;
	s10 =	sld [smem:$0x3FB2];
	_ =	sdelay $0x3  }
0x34: {  	[smem:$0x3FB2] =	sst s10  }
0x35: {  	s10 =	sld [smem:$0x3FB1];
	_ =	sdelay $0x3  }
0x36: {  	p1 =	seq.s32 s10, $0x1;
	s10 =	sld [smem:$0x3FB2];
	_ =	sdelay $0x3  }
0x37: {  	[smem:$0x3FB2] =	sst s10  }
0x38: {  	s10 =	sld [smem:$0x3FB3]  }
0x39: {  	_ = 	snop;
	(pc) =	sbr.ind lr, $3  }
0x3a: {  	_ = 	snop  }
0x3b: {  	_ = 	snop  }
0x3c: {  	p2 =	seq.s32 s10, $0x1;
	s10 =	sld [smem:$0x3FB2]  }
0x3d: {  	_ =	shalt  }
0x3e: {  	_ =	shalt  }
0x3f: {  	_ =	shalt  }
0x40: {  	_ =	shalt  }
0x41: {  	_ =	shalt  }
0x42: {  	_ =	shalt  }
0x43: {  	_ =	shalt  }
0x44: {  	_ =	shalt  }
0x45: {  	_ =	shalt  }
0x46: {  	_ =	shalt  }
0x47: {  	_ =	shalt  }
0x48: {  	_ =	shalt  }
0x49: {  	_ =	shalt  }
0x4a: {  	_ =	shalt  }
0x4b: {  	_ =	shalt  }
0x4c: {  	_ =	shalt  }
0x4d: {  	_ =	shalt  }
0x4e: {  	_ =	shalt  }
0x4f: {  	_ =	shalt  }
0x50: {  	_ =	shalt  }
0x51: {  	_ =	shalt  }
0x52: {  	_ =	shalt  }
0x53: {  	_ =	shalt  }
0x54: {  	_ =	shalt  }
0x55: {  	_ =	shalt  }
0x56: {  	_ =	shalt  }
0x57: {  	_ =	shalt  }
0x58: {  	_ =	shalt  }
0x59: {  	_ =	shalt  }
0x5a: {  	_ =	shalt  }
0x5b: {  	_ =	shalt  }
0x5c: {  	_ =	shalt  }
0x5d: {  	_ =	shalt  }
0x5e: {  	_ =	shalt  }
0x5f: {  	_ =	shalt  }
0x60: {  	_ =	shalt  }
0x61: {  	_ =	shalt  }
0x62: {  	_ =	shalt  }
0x63: {  	_ =	shalt  }
0x64: {  	_ =	shalt  }
0x65: {  	_ =	shalt  }
0x66: {  	_ =	shalt  }
0x67: {  	_ =	shalt  }
0x68: {  	_ =	shalt  }
0x69: {  	_ =	shalt  }
0x6a: {  	_ =	shalt  }
0x6b: {  	_ =	shalt  }
0x6c: {  	_ =	shalt  }
0x6d: {  	_ =	shalt  }
0x6e: {  	_ =	shalt  }
0x6f: {  	_ =	shalt  }
0x70: {  	_ =	shalt  }
0x71: {  	_ =	shalt  }
0x72: {  	_ =	shalt  }
0x73: {  	_ =	shalt  }
0x74: {  	_ =	shalt  }
0x75: {  	_ =	shalt  }
0x76: {  	_ =	shalt  }
0x77: {  	_ =	shalt  }
0x78: {  	_ =	shalt  }
0x79: {  	_ =	shalt  }
0x7a: {  	_ =	shalt  }
0x7b: {  	_ =	shalt  }
0x7c: {  	_ =	shalt  }
0x7d: {  	_ =	shalt  }
0x7e: {  	_ =	shalt  }
0x7f: {  	_ =	shalt  }
0x80: {  	_ =	shalt  }
0x81: {  	_ =	shalt  }
0x82: {  	_ =	shalt  }
0x83: {  	_ =	shalt  }
0x84: {  	_ =	shalt  }
0x85: {  	_ =	shalt  }
0x86: {  	_ =	shalt  }
0x87: {  	_ =	shalt  }
.Lfunc_end0:
.L_simem_size_0:
called_computation.1_lowered:
.L_overlay_start_0:
0x88: {  	s2 =	sld [smem:$0x3FD9]  }
0x89: {  	s3 =	sld [smem:$0x3FFE];
	_ =	sdelay $0x1  }
0x8a: {  	s1 =	srdreg.scid  }
0x8b: {  	s0 =	sand.u32 $0x1, s1  }
0x8c: {  	s17 =	sshll.u32 s0, $0xA;
	s2 =	sadd.s32 s3, s2  }
0x8d: {  	s2 =	sadd.s32 s2, s17  }
0x8e: {  	[smem:$0x3FBE] =	sst s2  }
0x8f: {  	_ = 	snop  }
0x90: {  	s2 =	sld [smem:$0x3FD0];
	(tm) =	ssettm $0x1  }
0x91: {  	s18 =	sld [smem:$0x3FFB];
	_ =	sdelay $0x3  }
0x92: {  	_ =	strace s18  }
0x93: {  	s3 =	sld [smem:$0x3FFC];
	_ =	sdelay $0x3  }
0x94: {  	_ =	strace s3  }
0x95: {  	s3 =	sld [smem:$0x3FFD];
	_ =	sdelay $0x3  }
0x96: {  	_ =	strace s3  }
0x97: {  	_ =	strace $0x8FFFFFFF  }
0x98: {  	s19 =	sld [smem:$0x3FDB];
	_ =	sdelay $0x1  }
0x99: {  	s4 =	simm.s32 $_scs_section_size  }
0x9a: {  	s5 =	simm.s32 $_size__tile_overlayer_lowered;
	s6 =	simm.s32 $_tile_overlayer_lowered  }
0x9b: {  	s22 =	simm.s32 $0x1BFF;
	s21 =	sshll.u32 s6, $0x1;
	s3 =	sadd.s32 s4, s19  }
0x9c: {  	s7 =	simm.s32 $0x0;
	s20 =	sshll.u32 s5, $0x1;
	s5 =	sadd.s32 s21, s3  }
0x9d: {  	[timem:s7], [sflag:s22] =	dma.local [hbm:s5], s20  }
0x9e: {  	_ =	swait.ge [sflag:s22], s20  }
0x9f: {  	s4 =	ssub.s32 $0x0, s20;
	[sflag:s22] =	ssyncset.done $0x0  }
0xa0: {  	[sflag:s22] =	ssyncadd.s32 s4;
	_ =	sdelay $0x1  }
0xa1: {  	s23 =	simm.s32 $0x1B8B  }
0xa2: {  	_ =	swait.ge [sflag:s23], $0x1  }
0xa3: {  	[sflag:s23] =	ssyncset.done $0x0  }
0xa4: {  	s25 =	simm.s32 $0x1B8E;
	s24 =	sld [smem:$0x3FFE];
	[sflag:s23] =	ssyncadd.s32 $0xFFFFFFFF  }
0xa5: {  	s26 =	simm.s32 $execute0_lowered;
	[smem:$0x3FD2] =	sst s25  }
0xa6: {  	s5 =	sshll.u32 s26, $0x1;
	_ =	strace $0x80000049;
	[dreg:$0x1] =	wrdreg $0xFFFFFFFF  }
0xa7: {  	s28 =	simm.s32 $_size_execute0_lowered;
	s3 =	sadd.s32 s3, s5;
	[dreg:$0x0] =	wrdreg $0x0  }
0xa8: {  	s5 =	sshll.u32 s28, $0x1;
	[dreg:$0x2] =	wrdreg s3  }
0xa9: {  	[dreg:$0x3] =	wrdreg s5  }
0xaa: {  	[dreg:$0x4] =	wrdreg $0xC0  }
0xab: {  	_ =	task [dreg:s7], $0x5FFFF  }
0xac: {  	[dreg:$0x1] =	wrdreg $0xFFFFFFFF  }
0xad: {  	[dreg:$0x0] =	wrdreg $0x60  }
0xae: {  	[dreg:$0x2] =	wrdreg s2  }
0xaf: {  	[dreg:$0x3] =	wrdreg s24  }
0xb0: {  	[dreg:$0x4] =	wrdreg $0x92000  }
0xb1: {  	[dreg:$0x5] =	wrdreg $0x1CE000  }
0xb2: {  	[dreg:$0x6] =	wrdreg $0x9  }
0xb3: {  	_ =	task.clear_ibuf [dreg:s7], $0x7FFFF;
	_ =	strace $0x90000049  }
0xb4: {  	s29 =	simm.s32 $0x9;
	_ =	strace $0x8000004B  }
0xb5: {  	_ =	swait.ge [sflag:s29], $0x1  }
0xb6: {  	[sflag:s29] =	ssyncadd.s32 $0xFFFFFFFF  }
0xb7: {  	_ =	strace $0x9000004B  }
0xb8: {  	_ =	sfence  }
0xb9: {  	s30 =	sld [smem:$0x0];
	_ =	sdelay $0x2  }
0xba: {  	s31 =	sshll.u32 s1, $0xD;
	s1 =	sshrl.u32 s1, $0x2  }
0xbb: {  	s3 =	sand.u32 $0x4000, s31;
	s1 =	sadd.s32 s1, s30  }
0xbc: {  	s0 =	sor.u32 s3, s0;
	s1 =	sshll.u32 s1, $0x11  }
0xbd: {  	s0 =	sor.u32 s1, s0  }
0xbe: {  	s0 =	sadd.s32 $0x8F2B, s0  }
0xbf: {  	[sflag:s0] =	ssyncadd.remote.s32 $0x1  }
0xc0: {  	_ =	sfence.sel $0xFFFF  }
0xc1: {  	[dreg:$0x0] =	wrdreg $0xFFFFFFFF;
	(pc) =	sbr.abs _section_cstart, $3  }
0xc2: {  	[dreg:$0x1] =	wrdreg $0xFFFFFFFF  }
0xc3: {  	_ =	task.clear_ibuf [dreg:s7], $0x2FFFF;
	_ =	strace $0x9FFFFFFF  }
0xc4: {  	(tm) =	ssettm $0x7FFFFFFF  }
0xc5: {  	_ =	shalt  }
tec
execute0_lowered:
.L_overlay_start_1:
0x0: {  	(tag) =	ssettag $0x1  }
0x1: {  	s7 =	rddreg [dreg:$0x0]  }
0x2: {  	s0 =	rddreg [dreg:$0x1]  }
0x3: {  	s2 =	rddreg [dreg:$0x2];
	s4 =	simm.s32 $0x0;
	s1 =	stileid.u32  }
0x4: {  	s5 =	srdreg.scid;
	s28 =	simm.s32 $0x9000;
	s30 =	simm.s32 $0x9080  }
0x5: {  	s31 =	simm.s32 $0x3;
	[smem:$0x7FF] =	sst s4;
	s6 =	sand.u32 $0x1, s5  }
0x6: {  	s9 =	smul.u32 $0x278, s1;
	s5 =	sadd.s32 $0x17C00, s0;
	s15 =	sadd.s32 $0x3C00, s0  }
0x7: {  	s16 =	sadd.s32 $0xDC00, s0;
	s8 =	sadd.s32 $0x21C00, s0;
	s11 =	smul.u32 $0x2780, s1  }
0x8: {  	s3 =	sadd.s32 $0x49400, s0;
	s25 =	sadd.s32 $0x49A00, s0;
	s26 =	sadd.s32 $0x4A000, s0  }
0x9: {  	s14 =	smul.u32 $0x4F000, s1;
	_ =	strace $0x8000004A;
	[dreg:$0x6] =	wrdreg s3  }
0xa: {  	s19 =	sshll.u32 s1, $0x6;
	p0 =	sne.s32 s1, $0x0;
	[dreg:$0x7] =	wrdreg s25  }
0xb: {  	s10 =	smul.u32 $0x2780, s6;
	[dreg:$0x8] =	wrdreg s26;
	s12 =	ssub.s32 $0x2, s6  }
0xc: {  	s6 =	sshll.u32 s6, $0x4;
	s3 =	smov.u32 s2;
	[dreg:$0x9] =	wrdreg s19  }
0xd: {  	s22 =	sor.u32 $0x1C0B, s19;
	[dreg:$0x5] =	wrdreg s15;
	s19 =	simm.s32 $0x2  }
0xe: {  	s11 =	sadd.s32 s11, s0;
	s13 =	sshrl.u32 s12, $0x1;
	s6 =	sor.u32 s1, s6  }
0xf: {  	s18 =	sshrl.u32 s14, $0x2;
	[dreg:$0xb] =	wrdreg s22;
	s14 =	simm.s32 $0x5  }
0x10: {  	s22 =	simm.s32 $0x9;
	s9 =	sadd.s32 s9, s10;
	s10 =	sshrl.u32 s10, $0x3  }
0x11: {  	s29 =	ssub.s32 s12, s13;
	s20 =	smul.u32 $0x500, s6;
	s12 =	sadd.s32 s18, s2  }
0x12: {  	s21 =	sadd.s32 $0x4A600, s11;
	s17 =	smul.u32 $0xA0, s6;
	s2 =	smov.u32 s5  }
0x13: {  	s11 =	simm.s32 $0x6F00;
	s18 =	simm.s32 $0x6;
	s13 =	simm.s32 $0xA  }
0x14: {  	s9 =	sshll.u32 s9, $0x4;
	[dreg:$0xa] =	wrdreg s21;
	s29 =	smax.u32 s29, $0x1  }
0x15: {  	s21 =	simm.s32 $0x7;
	s9 =	sadd.s32 s9, s0;
	s0 =	sadd.s32 s10, s0  }
0x16: {  	s23 =	sadd.s32 s7, s20;
	s24 =	sadd.s32 s15, s20;
	s5 =	sadd.s32 s5, s20  }
0x17: {  	s25 =	sadd.s32 s16, s20;
	[dreg:$0x12] =	wrdreg s29;
	s7 =	sshrl.u32 s12, $0x3  }
0x18: {  	s10 =	simm.s32 $0x4;
	s15 =	simm.s32 $0x1;
	[dreg:$0xc] =	wrdreg s23  }
0x19: {  	s20 =	simm.s32 $0x9180;
	s12 =	simm.s32 $0x8;
	[dreg:$0xd] =	wrdreg s24  }
.Ltmp0:
0x1a: {  	[dreg:$0xe] =	wrdreg s5;
	s5 =	smov.u32 s16;
	(pc) =	sbr.rel .LBB2_1-.Ltmp0, $4  }
0x1b: {  	[dreg:$0xf] =	wrdreg s25;
	s26 =	sadd.s32 $0x71E00, s9;
	s0 =	sadd.s32 $0xC0E00, s0  }
0x1c: {  	s23 =	simm.s32 $0xD;
	s25 =	simm.s32 $0x2780;
	[dreg:$0x13] =	wrdreg s7  }
0x1d: {  	s9 =	simm.s32 $0x4F00;
	s16 =	simm.s32 $0x9100;
	[dreg:$0x10] =	wrdreg s26  }
0x1e: {  	s24 =	simm.s32 $0x0;
	[dreg:$0x11] =	wrdreg s0;
	s0 =	simm.s32 $0x40  }
.LBB2_8:
0x1f: {  	_ =	swait.ge [sflag:s12], $0x2000  }
0x20: {  	[sflag:s12] =	ssyncset.done $0x0  }
0x21: {  	[sflag:s12] =	ssyncadd.s32 $0xFFFFE000  }
0x22: {  	_ =	swait.ge [sflag:s13], $0x40  }
0x23: {  	[sflag:s13] =	ssyncset.done $0x0  }
0x24: {  	[sflag:s13] =	ssyncadd.s32 $0xFFFFFFC0  }
0x25: {  	[bflag:$0x0] =	sbarrier.arrive $0xFFFF  }
0x26: {  	s1 =	rddreg [dreg:$0x9]  }
0x27: {  	s6 =	rddreg [dreg:$0x10]  }
0x28: {  	s23 =	simm.s32 $0xD;
	s7 =	rddreg [dreg:$0x13];
	s1 =	sor.u32 $0x1C0D, s1  }
0x29: {  	[hbm:s6], [sflag:s1] =	dma.local [spmem:s7], $0x2780  }
0x2a: {  	_ =	swait.ge [sflag:s23], $0x2780  }
0x2b: {  	[sflag:s23] =	ssyncset.done $0x0;
	s6 =	rddreg [dreg:$0x11]  }
0x2c: {  	s24 =	rddreg [dreg:$0x15];
	[sflag:s23] =	ssyncadd.s32 $0xFFFFD880  }
0x2d: {  	[hbm:s6], [sflag:s1] =	dma.local @!p0 [spmem:s24], $0x4F0  }
0x2e: {  	s1 =	simm.s32 @!p0 $0xD  }
0x2f: {  	_ =	swait.ge @!p0 [sflag:s1], $0x4F0  }
0x30: {  	s26 =	rddreg [dreg:$0x14]  }
0x31: {  	s29 =	rddreg [dreg:$0x12];
	s24 =	sadd.s32 $0x1, s26  }
0x32: {  	p1 =	sne.s32 s24, s29  }
.Ltmp1:
0x33: {  	_ = 	snop;
	(pc) =	sbr.rel @!p1 .LBB2_9-.Ltmp1, $3  }
0x34: {  	_ =	sdelay $0x1  }
0x35: {  	[sflag:s1] =	ssyncset.done @!p0 $0x0  }
0x36: {  	[sflag:s1] =	ssyncadd.s32 @!p0 $0xFFFFFB10  }
.LBB2_1:
0x37: {  	[dreg:$0x14] =	wrdreg s24  }
0x38: {  	s1 =	rddreg [dreg:$0xa]  }
0x39: {  	s6 =	rddreg [dreg:$0xb]  }
0x3a: {  	[spmem:s7], [sflag:s6] =	dma.local [hbm:s1], $0x2780  }
0x3b: {  	s1 =	rddreg [dreg:$0x3]  }
0x3c: {  	s6 =	rddreg [dreg:$0x8];
	s7 =	sshrl.u32 @!p0 s1, $0x3  }
0x3d: {  	s1 =	simm.s32 @!p0 $0x1C0C;
	[dreg:$0x15] =	wrdreg s7  }
0x3e: {  	[spmem:s7], [sflag:s1] =	dma.local @!p0 [hbm:s6], $0x4F0  }
0x3f: {  	s1 =	rddreg [dreg:$0x6]  }
0x40: {  	[tilespmem:s4], [sflag:$0xD] =	stream.linear.gather [hbm4b:s1+s4], $0x2780, $0x38;
	[tilespmem:$0x1D078] =	vst v63  }
0x41: {  	_ =	swait.ge [sflag:s23], $0x2780  }
0x42: {  	[sflag:s23] =	ssyncset.done $0x0  }
0x43: {  	s24 =	rddreg [dreg:$0x7];
	[sflag:s23] =	ssyncadd.s32 $0xFFFFD880  }
0x44: {  	[tilespmem:s25], [sflag:$0xD] =	stream.linear.gather [hbm4b:s24+s4], $0x2780, $0x38;
	[tilespmem:$0x1D078] =	vst v63  }
0x45: {  	_ =	swait.ge [sflag:s23], $0x2780  }
0x46: {  	[sflag:s23] =	ssyncset.done $0x0  }
0x47: {  	s29 =	simm.s32 $0x8F00;
	s26 =	rddreg [dreg:$0xc];
	[sflag:s23] =	ssyncadd.s32 $0xFFFFD880  }
0x48: {  	[tilespmem:s29], [sflag:$0x3] =	stream.linear.gather [hbm4b:s26+s4], $0x40, $0x38;
	[tilespmem:$0x1D078] =	vst v63  }
0x49: {  	s7 =	rddreg [dreg:$0xd]  }
0x4a: {  	[tilespmem:s28], [sflag:$0x5] =	stream.linear.gather [hbm4b:s7+s4], $0x40, $0x38;
	[tilespmem:$0x1D078] =	vst v63  }
0x4b: {  	s24 =	simm.s32 $0x8F80;
	s23 =	rddreg [dreg:$0xe]  }
0x4c: {  	[tilespmem:s24], [sflag:$0x4] =	stream.linear.gather [hbm4b:s23+s4], $0x40, $0x38;
	[tilespmem:$0x1D078] =	vst v63  }
0x4d: {  	s26 =	rddreg [dreg:$0xf]  }
0x4e: {  	[tilespmem:s30], [sflag:$0x6] =	stream.linear.gather [hbm4b:s26+s4], $0x40, $0x38;
	[tilespmem:$0x1D078] =	vst v63  }
0x4f: {  	_ =	swait.ge [sflag:s31], $0x40  }
0x50: {  	[sflag:s31] =	ssyncset.done $0x0  }
0x51: {  	[sflag:s31] =	ssyncadd.s32 $0xFFFFFFC0  }
0x52: {  	[tilespmem:s9], [sflag:$0x1] =	stream.indirect.gather [hbm4b:s8+s0], $0x80, s29, s0, $0xb8;
	[tilespmem:$0x1D078] =	vst v63  }
0x53: {  	_ =	swait.ge [sflag:s10], $0x40  }
0x54: {  	[sflag:s10] =	ssyncset.done $0x0  }
0x55: {  	s29 =	simm.s32 $0xB;
	[sflag:s10] =	ssyncadd.s32 $0xFFFFFFC0  }
0x56: {  	[tilespmem:s11], [sflag:$0x2] =	stream.indirect.gather [hbm4b:s8+s0], $0x80, s24, s0, $0xb8;
	[tilespmem:$0x1D078] =	vst v63  }
0x57: {  	_ =	swait.ge [sflag:s29], $0x2780  }
0x58: {  	[sflag:s29] =	ssyncset.done $0x0  }
0x59: {  	s1 =	simm.s32 @!p0 $0xC;
	[sflag:s29] =	ssyncadd.s32 $0xFFFFD880  }
0x5a: {  	_ =	swait.ge @!p0 [sflag:s1], $0x4F0  }
0x5b: {  	[sflag:s1] =	ssyncset.done @!p0 $0x0  }
0x5c: {  	[sflag:s1] =	ssyncadd.s32 @!p0 $0xFFFFFB10  }
0x5d: {  	s24 =	simm.s32 $0x0;
	[bflag:$0x0] =	sbarrier.arrive $0xFFFF  }
.LBB2_2:
0x5e: {  	_ =	swait.ge [sflag:s14], $0x40  }
0x5f: {  	[sflag:s14] =	ssyncset.done $0x0  }
0x60: {  	[sflag:s14] =	ssyncadd.s32 $0xFFFFFFC0  }
0x61: {  	v0 =	vld [tilespmem:$0x8F00]  }
0x62: {  	v1 =	vld [tilespmem:$0x9000];
	_ =	sdelay $0x6  }
0x63: {  	v0 =	vld.idx.msk [tilespmem:v0+s4+$0x0], $0xffff  }
0x64: {  	v1 =	vld.idx.msk [tilespmem:v1+s25+$0x0], $0xffff;
	_ =	sdelay $0x4  }
0x65: {  	v0 =	vadd.f32 v1, v0;
	_ =	sdelay $0x1  }
0x66: {  	v1 =	vmul.f32 $2.000000030e-01, v0  }
0x67: {  	vm0 =	vge.f32 v0, $0.0e+00  }
0x68: {  	v0 =	vsel vm0, v0, v1  }
0x69: {  	v0 =	vmul.f32 $1.442695020e+00, v0;
	_ =	sdelay $0x1  }
0x6a: {  	(erf) = vpow2.f32 v0;
	_ =	sdelay $0x2  }
0x6b: {  	v0 =	vld [tilespmem:$0x8F10]  }
0x6c: {  	v1 =	vld [tilespmem:$0x9010];
	_ =	sdelay $0x4  }
0x6d: {  	v2 =	vpop (erf)  }
0x6e: {  	[tilespmem:$0x9100] =	vst v2  }
0x6f: {  	v0 =	vld.idx.msk [tilespmem:v0+s4+$0x0], $0xffff  }
0x70: {  	v1 =	vld.idx.msk [tilespmem:v1+s25+$0x0], $0xffff;
	_ =	sdelay $0x4  }
0x71: {  	v0 =	vadd.f32 v1, v0;
	_ =	sdelay $0x1  }
0x72: {  	v1 =	vmul.f32 $2.000000030e-01, v0  }
0x73: {  	vm13 =	vge.f32 v0, $0.0e+00  }
0x74: {  	v0 =	vsel vm13, v0, v1  }
0x75: {  	v0 =	vmul.f32 $1.442695020e+00, v0;
	_ =	sdelay $0x1  }
0x76: {  	(erf) = vpow2.f32 v0;
	_ =	sdelay $0x2  }
0x77: {  	v0 =	vld [tilespmem:$0x8F20]  }
0x78: {  	v1 =	vld [tilespmem:$0x9020];
	_ =	sdelay $0x4  }
0x79: {  	v2 =	vpop (erf)  }
0x7a: {  	[tilespmem:$0x9110] =	vst v2  }
0x7b: {  	v0 =	vld.idx.msk [tilespmem:v0+s4+$0x0], $0xffff  }
0x7c: {  	v1 =	vld.idx.msk [tilespmem:v1+s25+$0x0], $0xffff;
	_ =	sdelay $0x4  }
0x7d: {  	v0 =	vadd.f32 v1, v0;
	_ =	sdelay $0x1  }
0x7e: {  	v1 =	vmul.f32 $2.000000030e-01, v0  }
0x7f: {  	vm14 =	vge.f32 v0, $0.0e+00  }
0x80: {  	v0 =	vsel vm14, v0, v1  }
0x81: {  	v0 =	vmul.f32 $1.442695020e+00, v0;
	_ =	sdelay $0x1  }
0x82: {  	(erf) = vpow2.f32 v0;
	_ =	sdelay $0x2  }
0x83: {  	v0 =	vld [tilespmem:$0x8F30]  }
0x84: {  	v1 =	vld [tilespmem:$0x9030];
	_ =	sdelay $0x4  }
0x85: {  	v2 =	vpop (erf)  }
0x86: {  	[tilespmem:$0x9120] =	vst v2  }
0x87: {  	v0 =	vld.idx.msk [tilespmem:v0+s4+$0x0], $0xffff  }
0x88: {  	v1 =	vld.idx.msk [tilespmem:v1+s25+$0x0], $0xffff;
	_ =	sdelay $0x4  }
0x89: {  	v0 =	vadd.f32 v1, v0;
	_ =	sdelay $0x1  }
0x8a: {  	v1 =	vmul.f32 $2.000000030e-01, v0  }
0x8b: {  	vm15 =	vge.f32 v0, $0.0e+00  }
0x8c: {  	v0 =	vsel vm15, v0, v1  }
0x8d: {  	v0 =	vmul.f32 $1.442695020e+00, v0;
	_ =	sdelay $0x1  }
0x8e: {  	(erf) = vpow2.f32 v0;
	_ =	sdelay $0x8  }
0x8f: {  	v0 =	vpop (erf)  }
0x90: {  	s1 =	sshll.u32 s24, $0x1;
	[tilespmem:$0x9130] =	vst v0  }
0x91: {  	p1 =	seq.s32 s24, $0x4F;
	s23 =	sadd.s32 $0x2, s1;
	_ =	swait.ge [sflag:s15], $0x2000  }
0x92: {  	s6 =	sadd.s32 @!p1 s17, s23;
	[sflag:s15] =	ssyncset.done $0x0  }
0x93: {  	s6 =	sshll.u32 @!p1 s6, $0x3;
	[sflag:s15] =	ssyncadd.s32 $0xFFFFE000  }
0x94: {  	s26 =	simm.s32 @!p1 $0x0;
	s6 =	sand.u32 @!p1 $0x1FFFFFF0, s6;
	s7 =	rddreg [dreg:$0x0]  }
0x95: {  	s29 =	simm.s32 @!p1 $0x8F00;
	s6 =	sadd.s32 @!p1 s7, s6;
	s7 =	simm.s32 $0x0  }
0x96: {  	[tilespmem:s29], [sflag:$0x3] =	stream.linear.gather @!p1 [hbm4b:s6+s26], $0x40, $0x38;
	v0 =	vmov s7;
	[tilespmem:$0x1D078] =	vst v63  }
0x97: {  	s26 =	simm.s32 $0x4F40  }
0x98: {  	v4 =	vld [tilespmem:s26+$0x30]  }
0x99: {  	v7 =	vld [tilespmem:s26+$0x10]  }
0x9a: {  	v5 =	vld [tilespmem:s26+$0xFFFFFFC0]  }
0x9b: {  	v1 =	vld.idx.msk [tilespmem:v0+s16+$0x0], $0xffff  }
0x9c: {  	v9 =	vld [tilespmem:s26+$0xFFFFFFE0]  }
0x9d: {  	v2 =	vld [tilespmem:s26+$0x20]  }
0x9e: {  	v3 =	vld [tilespmem:s26+$0xFFFFFFD0]  }
0x9f: {  	v0 =	vld [tilespmem:s26+$0xFFFFFFF0]  }
0xa0: {  	v8 =	vmul.f32 v4, v1;
	v4 =	vld [tilespmem:s26+$0x0]  }
0xa1: {  	v6 =	vmul.f32 v5, v1  }
0xa2: {  	s29 =	simm.s32 $0x1;
	s6 =	simm.s32 $0x4F40;
	v5 =	vmul.f32 v9, v1;
	v7 =	vmul.f32 v7, v1  }
.LBB2_3:
0xa3: {  	p2 =	sne.s32 s29, $0x3F  }
0xa4: {  	v3 =	vmul.f32 v3, v1;
	v2 =	vmul.f32 v2, v1;
	[tilespmem:s26+$0x30] =	vst v8;
	s6 =	sadd.s32 $0x80, s6;
	s7 =	smov.u32 s29;
	s29 =	sadd.s32 $0x1, s29  }
0xa5: {  	[tilespmem:s26+$0xFFFFFFC0] =	vst v6;
	v6 =	vmul.f32 v0, v1;
	v1 =	vmul.f32 v4, v1  }
0xa6: {  	[tilespmem:s26+$0x10] =	vst v7  }
0xa7: {  	v4 =	vmov s7;
	[tilespmem:s26+$0xFFFFFFE0] =	vst v5  }
0xa8: {  	v0 =	vld [tilespmem:s6+$0xFFFFFFF0];
	[tilespmem:s26+$0xFFFFFFF0] =	vst v6  }
0xa9: {  	v5 =	vld [tilespmem:s6+$0x30];
	[tilespmem:s26+$0x0] =	vst v1  }
0xaa: {  	v7 =	vld [tilespmem:s6+$0x10];
	[tilespmem:s26+$0x20] =	vst v2  }
0xab: {  	v6 =	vld [tilespmem:s6+$0xFFFFFFC0];
	[tilespmem:s26+$0xFFFFFFD0] =	vst v3;
	s26 =	smov.u32 s6  }
0xac: {  	v1 =	vld.idx.msk [tilespmem:v4+s16+$0x0], $0xffff  }
0xad: {  	v9 =	vld [tilespmem:s6+$0xFFFFFFE0]  }
0xae: {  	v2 =	vld [tilespmem:s6+$0x20]  }
.Ltmp2:
0xaf: {  	v3 =	vld [tilespmem:s6+$0xFFFFFFD0];
	(pc) =	sbr.rel @p2 .LBB2_3-.Ltmp2, $3  }
0xb0: {  	v4 =	vld [tilespmem:s6+$0x0];
	_ =	sdelay $0x1  }
0xb1: {  	v6 =	vmul.f32 v6, v1;
	v8 =	vmul.f32 v5, v1  }
0xb2: {  	v7 =	vmul.f32 v7, v1;
	v5 =	vmul.f32 v9, v1  }
0xb3: {  	[tilespmem:s26+$0x30] =	vst v8  }
0xb4: {  	[tilespmem:s26+$0xFFFFFFC0] =	vst v6  }
0xb5: {  	v0 =	vmul.f32 v0, v1;
	[tilespmem:s26+$0x10] =	vst v7  }
0xb6: {  	v2 =	vmul.f32 v2, v1;
	[tilespmem:s26+$0xFFFFFFE0] =	vst v5  }
0xb7: {  	v4 =	vmul.f32 v4, v1;
	[tilespmem:s26+$0xFFFFFFF0] =	vst v0  }
0xb8: {  	v0 =	vmul.f32 v3, v1;
	[tilespmem:s26+$0x20] =	vst v2  }
0xb9: {  	[tilespmem:s26+$0x0] =	vst v4  }
0xba: {  	[tilespmem:s26+$0xFFFFFFD0] =	vst v0  }
0xbb: {  	[spmem:s3] =	stream.indirect.scatter.add.f32 [tilespmem:s9], [sflag:$0x7], $0x80, s28, s0, $0xb8;
	[tilespmem:$0x1D078] =	vst v63  }
0xbc: {  	s6 =	rddreg [dreg:$0x3]  }
0xbd: {  	[spmem:s6] =	stream.indirect.scatter.add.f32 [tilespmem:s16], [sflag:$0x9], $0x1, s28, s0, $0xb8;
	[tilespmem:$0x1D078] =	vst v63  }
0xbe: {  	_ =	swait.ge [sflag:s18], $0x40  }
0xbf: {  	[sflag:s18] =	ssyncset.done $0x0  }
0xc0: {  	[sflag:s18] =	ssyncadd.s32 $0xFFFFFFC0  }
0xc1: {  	v0 =	vld [tilespmem:$0x8F80]  }
0xc2: {  	v1 =	vld [tilespmem:$0x9080];
	_ =	sdelay $0x6  }
0xc3: {  	v0 =	vld.idx.msk [tilespmem:v0+s4+$0x0], $0xffff  }
0xc4: {  	v1 =	vld.idx.msk [tilespmem:v1+s25+$0x0], $0xffff;
	_ =	sdelay $0x4  }
0xc5: {  	v0 =	vadd.f32 v1, v0;
	_ =	sdelay $0x1  }
0xc6: {  	v1 =	vmul.f32 $2.000000030e-01, v0  }
0xc7: {  	vm0 =	vge.f32 v0, $0.0e+00  }
0xc8: {  	v0 =	vsel vm0, v0, v1  }
0xc9: {  	v0 =	vmul.f32 $1.442695020e+00, v0;
	_ =	sdelay $0x1  }
0xca: {  	(erf) = vpow2.f32 v0;
	_ =	sdelay $0x2  }
0xcb: {  	v0 =	vld [tilespmem:$0x8F90]  }
0xcc: {  	v1 =	vld [tilespmem:$0x9090];
	_ =	sdelay $0x4  }
0xcd: {  	v2 =	vpop (erf)  }
0xce: {  	[tilespmem:$0x9180] =	vst v2  }
0xcf: {  	v0 =	vld.idx.msk [tilespmem:v0+s4+$0x0], $0xffff  }
0xd0: {  	v1 =	vld.idx.msk [tilespmem:v1+s25+$0x0], $0xffff;
	_ =	sdelay $0x4  }
0xd1: {  	v0 =	vadd.f32 v1, v0;
	_ =	sdelay $0x1  }
0xd2: {  	v1 =	vmul.f32 $2.000000030e-01, v0  }
0xd3: {  	vm13 =	vge.f32 v0, $0.0e+00  }
0xd4: {  	v0 =	vsel vm13, v0, v1  }
0xd5: {  	v0 =	vmul.f32 $1.442695020e+00, v0;
	_ =	sdelay $0x1  }
0xd6: {  	(erf) = vpow2.f32 v0;
	_ =	sdelay $0x2  }
0xd7: {  	v0 =	vld [tilespmem:$0x8FA0]  }
0xd8: {  	v1 =	vld [tilespmem:$0x90A0];
	_ =	sdelay $0x4  }
0xd9: {  	v2 =	vpop (erf)  }
0xda: {  	[tilespmem:$0x9190] =	vst v2  }
0xdb: {  	v0 =	vld.idx.msk [tilespmem:v0+s4+$0x0], $0xffff  }
0xdc: {  	v1 =	vld.idx.msk [tilespmem:v1+s25+$0x0], $0xffff;
	_ =	sdelay $0x4  }
0xdd: {  	v0 =	vadd.f32 v1, v0;
	_ =	sdelay $0x1  }
0xde: {  	v1 =	vmul.f32 $2.000000030e-01, v0  }
0xdf: {  	vm14 =	vge.f32 v0, $0.0e+00  }
0xe0: {  	v0 =	vsel vm14, v0, v1  }
0xe1: {  	v0 =	vmul.f32 $1.442695020e+00, v0;
	_ =	sdelay $0x1  }
0xe2: {  	(erf) = vpow2.f32 v0;
	_ =	sdelay $0x2  }
0xe3: {  	v0 =	vld [tilespmem:$0x8FB0]  }
0xe4: {  	v1 =	vld [tilespmem:$0x90B0];
	_ =	sdelay $0x4  }
0xe5: {  	v2 =	vpop (erf)  }
0xe6: {  	[tilespmem:$0x91A0] =	vst v2  }
0xe7: {  	v0 =	vld.idx.msk [tilespmem:v0+s4+$0x0], $0xffff  }
0xe8: {  	v1 =	vld.idx.msk [tilespmem:v1+s25+$0x0], $0xffff;
	_ =	sdelay $0x4  }
0xe9: {  	v0 =	vadd.f32 v1, v0;
	_ =	sdelay $0x1  }
0xea: {  	v1 =	vmul.f32 $2.000000030e-01, v0  }
0xeb: {  	vm15 =	vge.f32 v0, $0.0e+00  }
0xec: {  	v0 =	vsel vm15, v0, v1  }
0xed: {  	v0 =	vmul.f32 $1.442695020e+00, v0;
	_ =	sdelay $0x1  }
0xee: {  	(erf) = vpow2.f32 v0;
	_ =	sdelay $0x7  }
0xef: {  	s1 =	sadd.s32 $0x3, s1  }
0xf0: {  	s6 =	sadd.s32 @!p1 s17, s1;
	v0 =	vpop (erf)  }
0xf1: {  	s6 =	sshll.u32 @!p1 s6, $0x6;
	[tilespmem:$0x91B0] =	vst v0  }
0xf2: {  	s7 =	simm.s32 @!p1 $0x0;
	s6 =	sadd.s32 @!p1 $0xFFFFFFC0, s6;
	_ =	swait.ge [sflag:s19], $0x2000  }
0xf3: {  	s29 =	simm.s32 $0x0;
	s6 =	sshrl.u32 @!p1 s6, $0x3;
	[sflag:s19] =	ssyncset.done $0x0  }
0xf4: {  	s26 =	simm.s32 @!p1 $0x8F80;
	s6 =	sadd.s32 @!p1 s2, s6;
	[sflag:s19] =	ssyncadd.s32 $0xFFFFE000  }
0xf5: {  	v0 =	vmov s29;
	[tilespmem:s26], [sflag:$0x4] =	stream.linear.gather @!p1 [hbm4b:s6+s7], $0x40, $0x38;
	[tilespmem:$0x1D078] =	vst v63  }
0xf6: {  	s26 =	simm.s32 $0x6F40  }
0xf7: {  	v4 =	vld [tilespmem:s26+$0x30]  }
0xf8: {  	v7 =	vld [tilespmem:s26+$0x10]  }
0xf9: {  	v5 =	vld [tilespmem:s26+$0xFFFFFFC0]  }
0xfa: {  	v1 =	vld.idx.msk [tilespmem:v0+s20+$0x0], $0xffff  }
0xfb: {  	v9 =	vld [tilespmem:s26+$0xFFFFFFE0]  }
0xfc: {  	v0 =	vld [tilespmem:s26+$0xFFFFFFF0]  }
0xfd: {  	v2 =	vld [tilespmem:s26+$0x20]  }
0xfe: {  	v3 =	vld [tilespmem:s26+$0xFFFFFFD0]  }
0xff: {  	v8 =	vmul.f32 v4, v1;
	v4 =	vld [tilespmem:s26+$0x0]  }
0x100: {  	v6 =	vmul.f32 v5, v1  }
0x101: {  	s29 =	simm.s32 $0x1;
	s6 =	simm.s32 $0x6F40;
	v5 =	vmul.f32 v9, v1;
	v7 =	vmul.f32 v7, v1  }
.LBB2_5:
0x102: {  	p2 =	sne.s32 s29, $0x3F  }
0x103: {  	v3 =	vmul.f32 v3, v1;
	v2 =	vmul.f32 v2, v1;
	[tilespmem:s26+$0x30] =	vst v8;
	s6 =	sadd.s32 $0x80, s6;
	s7 =	smov.u32 s29;
	s29 =	sadd.s32 $0x1, s29  }
0x104: {  	[tilespmem:s26+$0xFFFFFFC0] =	vst v6;
	v6 =	vmul.f32 v0, v1;
	v1 =	vmul.f32 v4, v1  }
0x105: {  	[tilespmem:s26+$0x10] =	vst v7  }
0x106: {  	v4 =	vmov s7;
	[tilespmem:s26+$0xFFFFFFE0] =	vst v5  }
0x107: {  	v0 =	vld [tilespmem:s6+$0xFFFFFFF0];
	[tilespmem:s26+$0xFFFFFFF0] =	vst v6  }
0x108: {  	v5 =	vld [tilespmem:s6+$0x30];
	[tilespmem:s26+$0x0] =	vst v1  }
0x109: {  	v7 =	vld [tilespmem:s6+$0x10];
	[tilespmem:s26+$0x20] =	vst v2  }
0x10a: {  	v6 =	vld [tilespmem:s6+$0xFFFFFFC0];
	[tilespmem:s26+$0xFFFFFFD0] =	vst v3;
	s26 =	smov.u32 s6  }
0x10b: {  	v1 =	vld.idx.msk [tilespmem:v4+s20+$0x0], $0xffff  }
0x10c: {  	v9 =	vld [tilespmem:s6+$0xFFFFFFE0]  }
0x10d: {  	v2 =	vld [tilespmem:s6+$0x20]  }
.Ltmp3:
0x10e: {  	v3 =	vld [tilespmem:s6+$0xFFFFFFD0];
	(pc) =	sbr.rel @p2 .LBB2_5-.Ltmp3, $3  }
0x10f: {  	v4 =	vld [tilespmem:s6+$0x0];
	_ =	sdelay $0x1  }
0x110: {  	v6 =	vmul.f32 v6, v1;
	v8 =	vmul.f32 v5, v1  }
0x111: {  	v7 =	vmul.f32 v7, v1;
	v5 =	vmul.f32 v9, v1  }
0x112: {  	[tilespmem:s26+$0x30] =	vst v8  }
0x113: {  	[tilespmem:s26+$0xFFFFFFC0] =	vst v6  }
0x114: {  	v0 =	vmul.f32 v0, v1;
	[tilespmem:s26+$0x10] =	vst v7  }
0x115: {  	v2 =	vmul.f32 v2, v1;
	[tilespmem:s26+$0xFFFFFFE0] =	vst v5  }
0x116: {  	v63 =	vmul.f32 v3, v1;
	[tilespmem:s26+$0xFFFFFFF0] =	vst v0  }
0x117: {  	v4 =	vmul.f32 v4, v1;
	[tilespmem:s26+$0x20] =	vst v2  }
0x118: {  	[tilespmem:s26+$0xFFFFFFD0] =	vst v63  }
0x119: {  	[tilespmem:s26+$0x0] =	vst v4  }
0x11a: {  	[spmem:s3] =	stream.indirect.scatter.add.f32 [tilespmem:s11], [sflag:$0x8], $0x80, s30, s0, $0xb8;
	[tilespmem:$0x1D078] =	vst v63  }
0x11b: {  	s6 =	rddreg [dreg:$0x3]  }
0x11c: {  	[spmem:s6] =	stream.indirect.scatter.add.f32 [tilespmem:s20], [sflag:$0xA], $0x1, s30, s0, $0xb8;
	[tilespmem:$0x1D078] =	vst v63  }
0x11d: {  	_ =	swait.ge [sflag:s21], $0x2000  }
.Ltmp4:
0x11e: {  	[sflag:s21] =	ssyncset.done $0x0;
	(pc) =	sbr.rel @p1 .LBB2_8-.Ltmp4, $4  }
0x11f: {  	[sflag:s21] =	ssyncadd.s32 $0xFFFFE000  }
0x120: {  	_ =	swait.ge [sflag:s22], $0x40  }
0x121: {  	[sflag:s22] =	ssyncset.done $0x0  }
0x122: {  	[sflag:s22] =	ssyncadd.s32 $0xFFFFFFC0  }
0x123: {  	s6 =	sadd.s32 s17, s23  }
0x124: {  	s6 =	sshll.u32 s6, $0x3  }
0x125: {  	s7 =	rddreg [dreg:$0x5];
	s6 =	sand.u32 $0x1FFFFFF0, s6  }
0x126: {  	s6 =	sadd.s32 s7, s6  }
0x127: {  	[tilespmem:s28], [sflag:$0x5] =	stream.linear.gather [hbm4b:s6+s4], $0x40, $0x38;
	[tilespmem:$0x1D078] =	vst v63  }
0x128: {  	_ =	swait.ge [sflag:s31], $0x40  }
0x129: {  	[sflag:s31] =	ssyncset.done $0x0  }
0x12a: {  	s26 =	simm.s32 $0x8F00;
	[sflag:s31] =	ssyncadd.s32 $0xFFFFFFC0  }
0x12b: {  	[tilespmem:s9], [sflag:$0x1] =	stream.indirect.gather [hbm4b:s8+s0], $0x80, s26, s0, $0xb8;
	[tilespmem:$0x1D078] =	vst v63  }
0x12c: {  	_ =	swait.ge [sflag:s12], $0x2000  }
0x12d: {  	s1 =	sadd.s32 s17, s1;
	[sflag:s12] =	ssyncset.done $0x0  }
0x12e: {  	s1 =	sshll.u32 s1, $0x6;
	[sflag:s12] =	ssyncadd.s32 $0xFFFFE000  }
0x12f: {  	s1 =	sadd.s32 $0xFFFFFFC0, s1;
	_ =	swait.ge [sflag:s13], $0x40  }
0x130: {  	s1 =	sshrl.u32 s1, $0x3;
	[sflag:s13] =	ssyncset.done $0x0  }
0x131: {  	s1 =	sadd.s32 s5, s1;
	[sflag:s13] =	ssyncadd.s32 $0xFFFFFFC0  }
0x132: {  	[tilespmem:s30], [sflag:$0x6] =	stream.linear.gather [hbm4b:s1+s4], $0x40, $0x38;
	[tilespmem:$0x1D078] =	vst v63  }
.Ltmp5:
0x133: {  	_ = 	snop;
	(pc) =	sbr.rel .LBB2_2-.Ltmp5, $4  }
0x134: {  	_ =	swait.ge [sflag:s10], $0x40  }
0x135: {  	[sflag:s10] =	ssyncset.done $0x0  }
0x136: {  	s29 =	simm.s32 $0x8F80;
	s24 =	sadd.s32 $0x1, s24;
	[sflag:s10] =	ssyncadd.s32 $0xFFFFFFC0  }
0x137: {  	[tilespmem:s11], [sflag:$0x2] =	stream.indirect.gather [hbm4b:s8+s0], $0x80, s29, s0, $0xb8;
	[tilespmem:$0x1D078] =	vst v63  }
.LBB2_9:
0x138: {  	_ =	sfence.sel $0x180000  }
0x139: {  	[bflag:$0x0] =	sbarrier.arrive $0xFFFF  }
0x13a: {  	_ =	strace $0x9000004A  }
0x13b: {  	[bflag:$0x2] =	sbarrier.arrive $0xFFFF  }
0x13c: {  	s0 =	rddreg [dreg:$0x4]  }
0x13d: {  	s0 =	sadd.s32 @!p0 $0x100000, s0  }
0x13e: {  	[sflag:s0] =	ssyncadd.tile.s32 @!p0 $0x1;
	_ =	shalt  }
.Lfunc_end2:
_tile_overlayer_lowered:
.L_overlay_start_2:
0x13f: {  	(tag) =	ssettag $0x2  }
0x140: {  	s0 =	rddreg [dreg:$0x0];
	s2 =	stileid.u32  }
0x141: {  	s1 =	rddreg [dreg:$0x1];
	p0 =	sne.s32 s2, $0x0  }
0x142: {  	s3 =	rddreg [dreg:$0x2];
	[bflag:$0x3] =	sbarrier.arrive $0xFFFF;
	s2 =	simm.s32 @!p0 $0x1C0D  }
0x143: {  	[timem:s3], [sflag:s2] =	dma.local @!p0 [hbm:s0], s1  }
0x144: {  	s0 =	simm.s32 @!p0 $0xD  }
0x145: {  	_ =	swait.ge @!p0 [sflag:s0], s1  }
0x146: {  	s1 =	ssub.s32 @!p0 $0x0, s1;
	[sflag:s0] =	ssyncset.done @!p0 $0x0  }
0x147: {  	[sflag:s0] =	ssyncadd.s32 @!p0 s1  }
0x148: {  	[bflag:$0x3] =	sbarrier.arrive $0xFFFF  }
0x149: {  	_ =	shalt  }

// kernel: kernel.7.cloned.1.call-start
scs
__scs_entry_jumppad:
0x0: {  	(pc) =	sbr.rel $0x88, $3  }
0x1: {  	(tag) =	ssettag $0x0;
	lr =	simm.s32 $0x1  }
0x2: {  	[smem:$0x3F97] =	sst lr;
	_ =	strace $0xD0000000  }
0x3: {  	_ = 	snop  }
0x4: {  	_ = 	snop  }
0x5: {  	_ = 	snop  }
0x6: {  	_ = 	snop  }
0x7: {  	_ = 	snop  }
__scs_overlays_trampoline_lowered:
0x8: {  	[smem:$0x3FA6] =	sst s0  }
0x9: {  	[smem:$0x3FA7] =	sst s1  }
0xa: {  	[smem:$0x3FA8] =	sst s2  }
0xb: {  	[smem:$0x3FA9] =	sst s3  }
0xc: {  	[smem:$0x3FAA] =	sst s4  }
0xd: {  	[smem:$0x3FAB] =	sst s5  }
0xe: {  	[smem:$0x3FAC] =	sst s6  }
0xf: {  	[smem:$0x3FAD] =	sst s7  }
0x10: {  	[smem:$0x3FAE] =	sst s8  }
0x11: {  	[smem:$0x3FAF] =	sst s9;
	s0 =	simm.s32 @!p0 $0x0  }
0x12: {  	s1 =	sld [smem:$0x3F95];
	s0 =	simm.s32 @p0 $0x1  }
0x13: {  	[smem:$0x3FB0] =	sst s0;
	s0 =	simm.s32 @!p1 $0x0  }
0x14: {  	s2 =	sld [smem:$0x3F94];
	s0 =	simm.s32 @p1 $0x1  }
0x15: {  	[smem:$0x3FB1] =	sst s0;
	s0 =	simm.s32 @!p2 $0x0  }
0x16: {  	s3 =	sld [smem:$0x3FDB];
	s0 =	simm.s32 @p2 $0x1  }
0x17: {  	s4 =	simm.s32 $0x1BF5;
	[smem:$0x3FB3] =	sst s0  }
0x18: {  	s0 =	sld [smem:$0x3F96];
	_ =	swait.ge [sflag:s4], $0x0  }
0x19: {  	s7 =	sld [smem:$0x3F97]  }
0x1a: {  	s8 =	sadd.s32 $0xFFFFE003, lr  }
0x1b: {  	s9 =	sadd.s32 $0xFFFFFEF7, lr;
	s5 =	simm.s32 $0xFFFFFFFF;
	p2 =	slt.u32 s8, $0xFFFFF086  }
0x1c: {  	p1 =	slt.u32 s9, $0xF7A;
	s5 =	simm.s32 @!p2 $0x0  }
0x1d: {  	s5 =	simm.s32 @p1 $0x1;
	p0 =	seq.s32 s7, s2  }
0x1e: {  	s7 =	smul.u32 @!p0 $0xF7A, s2;
	p2 =	seq.s32 @!p0 s5, $0x0  }
0x1f: {  	s9 =	smul.u32 $0xF7A, s1;
	s8 =	simm.s32 @!p0 $0x1BF5;
	p2 =	por !p2, p0  }
0x20: {  	[sflag:s8] =	ssyncset.s32 @!p0 $0xFFFFF086;
	s6 =	sadd.s32 @!p0 s3, s7;
	s7 =	simm.s32 @!p0 $0x108  }
0x21: {  	s3 =	sadd.s32 s3, s9;
	s6 =	sadd.s32 @!p0 $0x88, s6;
	s7 =	simm.s32 @p2 $0x1082  }
0x22: {  	[simem:s7], [sflag:s8] =	dma.local @!p0 [hbm:s6], $0xF7A  }
0x23: {  	s9 =	sor.u32 $0xD0000000, s2;
	s6 =	simm.s32 $0x108;
	_ =	swait.ge @!p0 [sflag:s8], $0x0  }
0x24: {  	s3 =	sadd.s32 $0x88, s3;
	s6 =	simm.s32 @!p1 $0x1082;
	[sflag:s4] =	ssyncset.s32 $0xFFFFF086  }
0x25: {  	[simem:s6], [sflag:s4] =	dma.local [hbm:s3], $0xF7A  }
0x26: {  	[smem:$0x3F97] =	sst s1;
	(tag) =	ssettag s2;
	_ =	strace s9  }
0x27: {  	s1 =	sld [smem:$0x3FA7]  }
0x28: {  	s2 =	sld [smem:$0x3FA8]  }
0x29: {  	s4 =	sld [smem:$0x3FAA]  }
0x2a: {  	p0 =	seq.s32 s5, $0x0;
	s5 =	sld [smem:$0x3FAB]  }
0x2b: {  	s6 =	sld [smem:$0x3FAC]  }
0x2c: {  	s7 =	sld [smem:$0x3FAD]  }
0x2d: {  	s3 =	simm.s32 $0x108;
	s8 =	sld [smem:$0x3FAE]  }
0x2e: {  	s3 =	simm.s32 @!p0 $0x1082;
	s9 =	sld [smem:$0x3FAF]  }
0x2f: {  	lr =	sadd.s32 s0, s3;
	s0 =	sld [smem:$0x3FA6]  }
0x30: {  	s3 =	sld [smem:$0x3FA9]  }
0x31: {  	[smem:$0x3FB2] =	sst s10  }
0x32: {  	s10 =	sld [smem:$0x3FB0];
	_ =	sdelay $0x3  }
0x33: {  	p0 =	seq.s32 s10, $0x1;
	s10 =	sld [smem:$0x3FB2];
	_ =	sdelay $0x3  }
0x34: {  	[smem:$0x3FB2] =	sst s10  }
0x35: {  	s10 =	sld [smem:$0x3FB1];
	_ =	sdelay $0x3  }
0x36: {  	p1 =	seq.s32 s10, $0x1;
	s10 =	sld [smem:$0x3FB2];
	_ =	sdelay $0x3  }
0x37: {  	[smem:$0x3FB2] =	sst s10  }
0x38: {  	s10 =	sld [smem:$0x3FB3]  }
0x39: {  	_ = 	snop;
	(pc) =	sbr.ind lr, $3  }
0x3a: {  	_ = 	snop  }
0x3b: {  	_ = 	snop  }
0x3c: {  	p2 =	seq.s32 s10, $0x1;
	s10 =	sld [smem:$0x3FB2]  }
0x3d: {  	_ =	shalt  }
0x3e: {  	_ =	shalt  }
0x3f: {  	_ =	shalt  }
0x40: {  	_ =	shalt  }
0x41: {  	_ =	shalt  }
0x42: {  	_ =	shalt  }
0x43: {  	_ =	shalt  }
0x44: {  	_ =	shalt  }
0x45: {  	_ =	shalt  }
0x46: {  	_ =	shalt  }
0x47: {  	_ =	shalt  }
0x48: {  	_ =	shalt  }
0x49: {  	_ =	shalt  }
0x4a: {  	_ =	shalt  }
0x4b: {  	_ =	shalt  }
0x4c: {  	_ =	shalt  }
0x4d: {  	_ =	shalt  }
0x4e: {  	_ =	shalt  }
0x4f: {  	_ =	shalt  }
0x50: {  	_ =	shalt  }
0x51: {  	_ =	shalt  }
0x52: {  	_ =	shalt  }
0x53: {  	_ =	shalt  }
0x54: {  	_ =	shalt  }
0x55: {  	_ =	shalt  }
0x56: {  	_ =	shalt  }
0x57: {  	_ =	shalt  }
0x58: {  	_ =	shalt  }
0x59: {  	_ =	shalt  }
0x5a: {  	_ =	shalt  }
0x5b: {  	_ =	shalt  }
0x5c: {  	_ =	shalt  }
0x5d: {  	_ =	shalt  }
0x5e: {  	_ =	shalt  }
0x5f: {  	_ =	shalt  }
0x60: {  	_ =	shalt  }
0x61: {  	_ =	shalt  }
0x62: {  	_ =	shalt  }
0x63: {  	_ =	shalt  }
0x64: {  	_ =	shalt  }
0x65: {  	_ =	shalt  }
0x66: {  	_ =	shalt  }
0x67: {  	_ =	shalt  }
0x68: {  	_ =	shalt  }
0x69: {  	_ =	shalt  }
0x6a: {  	_ =	shalt  }
0x6b: {  	_ =	shalt  }
0x6c: {  	_ =	shalt  }
0x6d: {  	_ =	shalt  }
0x6e: {  	_ =	shalt  }
0x6f: {  	_ =	shalt  }
0x70: {  	_ =	shalt  }
0x71: {  	_ =	shalt  }
0x72: {  	_ =	shalt  }
0x73: {  	_ =	shalt  }
0x74: {  	_ =	shalt  }
0x75: {  	_ =	shalt  }
0x76: {  	_ =	shalt  }
0x77: {  	_ =	shalt  }
0x78: {  	_ =	shalt  }
0x79: {  	_ =	shalt  }
0x7a: {  	_ =	shalt  }
0x7b: {  	_ =	shalt  }
0x7c: {  	_ =	shalt  }
0x7d: {  	_ =	shalt  }
0x7e: {  	_ =	shalt  }
0x7f: {  	_ =	shalt  }
0x80: {  	_ =	shalt  }
0x81: {  	_ =	shalt  }
0x82: {  	_ =	shalt  }
0x83: {  	_ =	shalt  }
0x84: {  	_ =	shalt  }
0x85: {  	_ =	shalt  }
0x86: {  	_ =	shalt  }
0x87: {  	_ =	shalt  }
.Lfunc_end0:
.L_simem_size_0:
called_computation_lowered:
.L_overlay_start_0:
0x88: {  	s2 =	sld [smem:$0x3FD9]  }
0x89: {  	s3 =	sld [smem:$0x3FFE];
	_ =	sdelay $0x1  }
0x8a: {  	s1 =	srdreg.scid  }
0x8b: {  	s0 =	sand.u32 $0x1, s1  }
0x8c: {  	s17 =	sshll.u32 s0, $0xA;
	s2 =	sadd.s32 s3, s2  }
0x8d: {  	s2 =	sadd.s32 s2, s17  }
0x8e: {  	[smem:$0x3FBE] =	sst s2  }
0x8f: {  	_ = 	snop  }
0x90: {  	s2 =	sld [smem:$0x3FD0];
	(tm) =	ssettm $0x1  }
0x91: {  	s18 =	sld [smem:$0x3FFB];
	_ =	sdelay $0x3  }
0x92: {  	_ =	strace s18  }
0x93: {  	s3 =	sld [smem:$0x3FFC];
	_ =	sdelay $0x3  }
0x94: {  	_ =	strace s3  }
0x95: {  	s3 =	sld [smem:$0x3FFD];
	_ =	sdelay $0x3  }
0x96: {  	_ =	strace s3  }
0x97: {  	_ =	strace $0x8FFFFFFF  }
0x98: {  	s19 =	sld [smem:$0x3FDB];
	_ =	sdelay $0x1  }
0x99: {  	s4 =	simm.s32 $_scs_section_size  }
0x9a: {  	s5 =	simm.s32 $_size__tile_overlayer_lowered;
	s6 =	simm.s32 $_tile_overlayer_lowered  }
0x9b: {  	s22 =	simm.s32 $0x1BFF;
	s21 =	sshll.u32 s6, $0x1;
	s3 =	sadd.s32 s4, s19  }
0x9c: {  	s7 =	simm.s32 $0x0;
	s20 =	sshll.u32 s5, $0x1;
	s5 =	sadd.s32 s21, s3  }
0x9d: {  	[timem:s7], [sflag:s22] =	dma.local [hbm:s5], s20  }
0x9e: {  	_ =	swait.ge [sflag:s22], s20  }
0x9f: {  	s4 =	ssub.s32 $0x0, s20;
	[sflag:s22] =	ssyncset.done $0x0  }
0xa0: {  	[sflag:s22] =	ssyncadd.s32 s4;
	_ =	sdelay $0x1  }
0xa1: {  	s23 =	simm.s32 $0x1B8B  }
0xa2: {  	_ =	swait.ge [sflag:s23], $0x1  }
0xa3: {  	[sflag:s23] =	ssyncset.done $0x0  }
0xa4: {  	s25 =	simm.s32 $0x1B8E;
	s24 =	sld [smem:$0x3FFE];
	[sflag:s23] =	ssyncadd.s32 $0xFFFFFFFF  }
0xa5: {  	s26 =	simm.s32 $execute0_lowered;
	[smem:$0x3FD2] =	sst s25  }
0xa6: {  	s5 =	sshll.u32 s26, $0x1;
	_ =	strace $0x80000046;
	[dreg:$0x1] =	wrdreg $0xFFFFFFFF  }
0xa7: {  	s28 =	simm.s32 $_size_execute0_lowered;
	s3 =	sadd.s32 s3, s5;
	[dreg:$0x0] =	wrdreg $0x0  }
0xa8: {  	s5 =	sshll.u32 s28, $0x1;
	[dreg:$0x2] =	wrdreg s3  }
0xa9: {  	[dreg:$0x3] =	wrdreg s5  }
0xaa: {  	[dreg:$0x4] =	wrdreg $0xC0  }
0xab: {  	_ =	task [dreg:s7], $0x5FFFF  }
0xac: {  	[dreg:$0x1] =	wrdreg $0xFFFFFFFF  }
0xad: {  	[dreg:$0x0] =	wrdreg $0x60  }
0xae: {  	[dreg:$0x2] =	wrdreg s2  }
0xaf: {  	[dreg:$0x3] =	wrdreg s24  }
0xb0: {  	[dreg:$0x4] =	wrdreg $0x92000  }
0xb1: {  	[dreg:$0x5] =	wrdreg $0x1CE000  }
0xb2: {  	[dreg:$0x6] =	wrdreg $0x9  }
0xb3: {  	_ =	task.clear_ibuf [dreg:s7], $0x7FFFF;
	_ =	strace $0x90000046  }
0xb4: {  	s29 =	simm.s32 $0x9;
	_ =	strace $0x80000048  }
0xb5: {  	_ =	swait.ge [sflag:s29], $0x1  }
0xb6: {  	[sflag:s29] =	ssyncadd.s32 $0xFFFFFFFF  }
0xb7: {  	_ =	strace $0x90000048  }
0xb8: {  	_ =	sfence  }
0xb9: {  	s30 =	sld [smem:$0x0];
	_ =	sdelay $0x2  }
0xba: {  	s31 =	sshll.u32 s1, $0xD;
	s1 =	sshrl.u32 s1, $0x2  }
0xbb: {  	s3 =	sand.u32 $0x4000, s31;
	s1 =	sadd.s32 s1, s30  }
0xbc: {  	s0 =	sor.u32 s3, s0;
	s1 =	sshll.u32 s1, $0x11  }
0xbd: {  	s0 =	sor.u32 s1, s0  }
0xbe: {  	s0 =	sadd.s32 $0x8F2B, s0  }
0xbf: {  	[sflag:s0] =	ssyncadd.remote.s32 $0x1  }
0xc0: {  	_ =	sfence.sel $0xFFFF  }
0xc1: {  	[dreg:$0x0] =	wrdreg $0xFFFFFFFF;
	(pc) =	sbr.abs _section_cstart, $3  }
0xc2: {  	[dreg:$0x1] =	wrdreg $0xFFFFFFFF  }
0xc3: {  	_ =	task.clear_ibuf [dreg:s7], $0x2FFFF;
	_ =	strace $0x9FFFFFFF  }
0xc4: {  	(tm) =	ssettm $0x7FFFFFFF  }
0xc5: {  	_ =	shalt  }
tec
execute0_lowered:
.L_overlay_start_1:
0x0: {  	(tag) =	ssettag $0x1  }
0x1: {  	s7 =	rddreg [dreg:$0x0]  }
0x2: {  	s0 =	rddreg [dreg:$0x1]  }
0x3: {  	s2 =	rddreg [dreg:$0x2];
	s4 =	simm.s32 $0x0;
	s1 =	stileid.u32  }
0x4: {  	s5 =	srdreg.scid;
	s28 =	simm.s32 $0x9000;
	s30 =	simm.s32 $0x9080  }
0x5: {  	s31 =	simm.s32 $0x3;
	[smem:$0x7FF] =	sst s4;
	s6 =	sand.u32 $0x1, s5  }
0x6: {  	s9 =	smul.u32 $0x278, s1;
	s5 =	sadd.s32 $0x17C00, s0;
	s15 =	sadd.s32 $0x3C00, s0  }
0x7: {  	s16 =	sadd.s32 $0xDC00, s0;
	s8 =	sadd.s32 $0x22200, s0;
	s11 =	smul.u32 $0x2780, s1  }
0x8: {  	s3 =	sadd.s32 $0x49A00, s0;
	s25 =	sadd.s32 $0x21C00, s0;
	s26 =	sadd.s32 $0x4A000, s0  }
0x9: {  	s14 =	smul.u32 $0x4F000, s1;
	_ =	strace $0x80000047;
	[dreg:$0x6] =	wrdreg s3  }
0xa: {  	s19 =	sshll.u32 s1, $0x6;
	p0 =	sne.s32 s1, $0x0;
	[dreg:$0x7] =	wrdreg s25  }
0xb: {  	s10 =	smul.u32 $0x2780, s6;
	[dreg:$0x8] =	wrdreg s26;
	s12 =	ssub.s32 $0x2, s6  }
0xc: {  	s6 =	sshll.u32 s6, $0x4;
	s3 =	smov.u32 s2;
	[dreg:$0x9] =	wrdreg s19  }
0xd: {  	s22 =	sor.u32 $0x1C0B, s19;
	[dreg:$0x5] =	wrdreg s15;
	s19 =	simm.s32 $0x2  }
0xe: {  	s11 =	sadd.s32 s11, s0;
	s13 =	sshrl.u32 s12, $0x1;
	s6 =	sor.u32 s1, s6  }
0xf: {  	s18 =	sshrl.u32 s14, $0x2;
	[dreg:$0xb] =	wrdreg s22;
	s14 =	simm.s32 $0x5  }
0x10: {  	s22 =	simm.s32 $0x9;
	s9 =	sadd.s32 s9, s10;
	s10 =	sshrl.u32 s10, $0x3  }
0x11: {  	s29 =	ssub.s32 s12, s13;
	s20 =	smul.u32 $0x500, s6;
	s12 =	sadd.s32 s18, s2  }
0x12: {  	s21 =	sadd.s32 $0x4A600, s11;
	s17 =	smul.u32 $0xA0, s6;
	s2 =	smov.u32 s5  }
0x13: {  	s11 =	simm.s32 $0x6F00;
	s18 =	simm.s32 $0x6;
	s13 =	simm.s32 $0xA  }
0x14: {  	s9 =	sshll.u32 s9, $0x4;
	[dreg:$0xa] =	wrdreg s21;
	s29 =	smax.u32 s29, $0x1  }
0x15: {  	s21 =	simm.s32 $0x7;
	s9 =	sadd.s32 s9, s0;
	s0 =	sadd.s32 s10, s0  }
0x16: {  	s23 =	sadd.s32 s7, s20;
	s24 =	sadd.s32 s15, s20;
	s5 =	sadd.s32 s5, s20  }
0x17: {  	s25 =	sadd.s32 s16, s20;
	[dreg:$0x12] =	wrdreg s29;
	s7 =	sshrl.u32 s12, $0x3  }
0x18: {  	s10 =	simm.s32 $0x4;
	s15 =	simm.s32 $0x1;
	[dreg:$0xc] =	wrdreg s23  }
0x19: {  	s20 =	simm.s32 $0x9180;
	s12 =	simm.s32 $0x8;
	[dreg:$0xd] =	wrdreg s24  }
.Ltmp0:
0x1a: {  	[dreg:$0xe] =	wrdreg s5;
	s5 =	smov.u32 s16;
	(pc) =	sbr.rel .LBB2_1-.Ltmp0, $4  }
0x1b: {  	[dreg:$0xf] =	wrdreg s25;
	s26 =	sadd.s32 $0x71E00, s9;
	s0 =	sadd.s32 $0xC0E00, s0  }
0x1c: {  	s23 =	simm.s32 $0xD;
	s25 =	simm.s32 $0x2780;
	[dreg:$0x13] =	wrdreg s7  }
0x1d: {  	s9 =	simm.s32 $0x4F00;
	s16 =	simm.s32 $0x9100;
	[dreg:$0x10] =	wrdreg s26  }
0x1e: {  	s24 =	simm.s32 $0x0;
	[dreg:$0x11] =	wrdreg s0;
	s0 =	simm.s32 $0x40  }
.LBB2_8:
0x1f: {  	_ =	swait.ge [sflag:s12], $0x2000  }
0x20: {  	[sflag:s12] =	ssyncset.done $0x0  }
0x21: {  	[sflag:s12] =	ssyncadd.s32 $0xFFFFE000  }
0x22: {  	_ =	swait.ge [sflag:s13], $0x40  }
0x23: {  	[sflag:s13] =	ssyncset.done $0x0  }
0x24: {  	[sflag:s13] =	ssyncadd.s32 $0xFFFFFFC0  }
0x25: {  	[bflag:$0x0] =	sbarrier.arrive $0xFFFF  }
0x26: {  	s1 =	rddreg [dreg:$0x9]  }
0x27: {  	s6 =	rddreg [dreg:$0x10]  }
0x28: {  	s23 =	simm.s32 $0xD;
	s7 =	rddreg [dreg:$0x13];
	s1 =	sor.u32 $0x1C0D, s1  }
0x29: {  	[hbm:s6], [sflag:s1] =	dma.local [spmem:s7], $0x2780  }
0x2a: {  	_ =	swait.ge [sflag:s23], $0x2780  }
0x2b: {  	[sflag:s23] =	ssyncset.done $0x0;
	s6 =	rddreg [dreg:$0x11]  }
0x2c: {  	s24 =	rddreg [dreg:$0x15];
	[sflag:s23] =	ssyncadd.s32 $0xFFFFD880  }
0x2d: {  	[hbm:s6], [sflag:s1] =	dma.local @!p0 [spmem:s24], $0x4F0  }
0x2e: {  	s1 =	simm.s32 @!p0 $0xD  }
0x2f: {  	_ =	swait.ge @!p0 [sflag:s1], $0x4F0  }
0x30: {  	s26 =	rddreg [dreg:$0x14]  }
0x31: {  	s29 =	rddreg [dreg:$0x12];
	s24 =	sadd.s32 $0x1, s26  }
0x32: {  	p1 =	sne.s32 s24, s29  }
.Ltmp1:
0x33: {  	_ = 	snop;
	(pc) =	sbr.rel @!p1 .LBB2_9-.Ltmp1, $3  }
0x34: {  	_ =	sdelay $0x1  }
0x35: {  	[sflag:s1] =	ssyncset.done @!p0 $0x0  }
0x36: {  	[sflag:s1] =	ssyncadd.s32 @!p0 $0xFFFFFB10  }
.LBB2_1:
0x37: {  	[dreg:$0x14] =	wrdreg s24  }
0x38: {  	s1 =	rddreg [dreg:$0xa]  }
0x39: {  	s6 =	rddreg [dreg:$0xb]  }
0x3a: {  	[spmem:s7], [sflag:s6] =	dma.local [hbm:s1], $0x2780  }
0x3b: {  	s1 =	rddreg [dreg:$0x3]  }
0x3c: {  	s6 =	rddreg [dreg:$0x8];
	s7 =	sshrl.u32 @!p0 s1, $0x3  }
0x3d: {  	s1 =	simm.s32 @!p0 $0x1C0C;
	[dreg:$0x15] =	wrdreg s7  }
0x3e: {  	[spmem:s7], [sflag:s1] =	dma.local @!p0 [hbm:s6], $0x4F0  }
0x3f: {  	s1 =	rddreg [dreg:$0x6]  }
0x40: {  	[tilespmem:s4], [sflag:$0xD] =	stream.linear.gather [hbm4b:s1+s4], $0x2780, $0x38;
	[tilespmem:$0x1D078] =	vst v63  }
0x41: {  	_ =	swait.ge [sflag:s23], $0x2780  }
0x42: {  	[sflag:s23] =	ssyncset.done $0x0  }
0x43: {  	s24 =	rddreg [dreg:$0x7];
	[sflag:s23] =	ssyncadd.s32 $0xFFFFD880  }
0x44: {  	[tilespmem:s25], [sflag:$0xD] =	stream.linear.gather [hbm4b:s24+s4], $0x2780, $0x38;
	[tilespmem:$0x1D078] =	vst v63  }
0x45: {  	_ =	swait.ge [sflag:s23], $0x2780  }
0x46: {  	[sflag:s23] =	ssyncset.done $0x0  }
0x47: {  	s29 =	simm.s32 $0x8F00;
	s26 =	rddreg [dreg:$0xc];
	[sflag:s23] =	ssyncadd.s32 $0xFFFFD880  }
0x48: {  	[tilespmem:s29], [sflag:$0x3] =	stream.linear.gather [hbm4b:s26+s4], $0x40, $0x38;
	[tilespmem:$0x1D078] =	vst v63  }
0x49: {  	s7 =	rddreg [dreg:$0xd]  }
0x4a: {  	[tilespmem:s28], [sflag:$0x5] =	stream.linear.gather [hbm4b:s7+s4], $0x40, $0x38;
	[tilespmem:$0x1D078] =	vst v63  }
0x4b: {  	s24 =	simm.s32 $0x8F80;
	s23 =	rddreg [dreg:$0xe]  }
0x4c: {  	[tilespmem:s24], [sflag:$0x4] =	stream.linear.gather [hbm4b:s23+s4], $0x40, $0x38;
	[tilespmem:$0x1D078] =	vst v63  }
0x4d: {  	s26 =	rddreg [dreg:$0xf]  }
0x4e: {  	[tilespmem:s30], [sflag:$0x6] =	stream.linear.gather [hbm4b:s26+s4], $0x40, $0x38;
	[tilespmem:$0x1D078] =	vst v63  }
0x4f: {  	_ =	swait.ge [sflag:s31], $0x40  }
0x50: {  	[sflag:s31] =	ssyncset.done $0x0  }
0x51: {  	[sflag:s31] =	ssyncadd.s32 $0xFFFFFFC0  }
0x52: {  	[tilespmem:s9], [sflag:$0x1] =	stream.indirect.gather [hbm4b:s8+s0], $0x80, s29, s0, $0xb8;
	[tilespmem:$0x1D078] =	vst v63  }
0x53: {  	_ =	swait.ge [sflag:s10], $0x40  }
0x54: {  	[sflag:s10] =	ssyncset.done $0x0  }
0x55: {  	s29 =	simm.s32 $0xB;
	[sflag:s10] =	ssyncadd.s32 $0xFFFFFFC0  }
0x56: {  	[tilespmem:s11], [sflag:$0x2] =	stream.indirect.gather [hbm4b:s8+s0], $0x80, s24, s0, $0xb8;
	[tilespmem:$0x1D078] =	vst v63  }
0x57: {  	_ =	swait.ge [sflag:s29], $0x2780  }
0x58: {  	[sflag:s29] =	ssyncset.done $0x0  }
0x59: {  	s1 =	simm.s32 @!p0 $0xC;
	[sflag:s29] =	ssyncadd.s32 $0xFFFFD880  }
0x5a: {  	_ =	swait.ge @!p0 [sflag:s1], $0x4F0  }
0x5b: {  	[sflag:s1] =	ssyncset.done @!p0 $0x0  }
0x5c: {  	[sflag:s1] =	ssyncadd.s32 @!p0 $0xFFFFFB10  }
0x5d: {  	s24 =	simm.s32 $0x0;
	[bflag:$0x0] =	sbarrier.arrive $0xFFFF  }
.LBB2_2:
0x5e: {  	_ =	swait.ge [sflag:s14], $0x40  }
0x5f: {  	[sflag:s14] =	ssyncset.done $0x0  }
0x60: {  	[sflag:s14] =	ssyncadd.s32 $0xFFFFFFC0  }
0x61: {  	v0 =	vld [tilespmem:$0x8F00]  }
0x62: {  	v1 =	vld [tilespmem:$0x9000];
	_ =	sdelay $0x6  }
0x63: {  	v0 =	vld.idx.msk [tilespmem:v0+s4+$0x0], $0xffff  }
0x64: {  	v1 =	vld.idx.msk [tilespmem:v1+s25+$0x0], $0xffff;
	_ =	sdelay $0x4  }
0x65: {  	v0 =	vadd.f32 v1, v0;
	_ =	sdelay $0x1  }
0x66: {  	v1 =	vmul.f32 $2.000000030e-01, v0  }
0x67: {  	vm0 =	vge.f32 v0, $0.0e+00  }
0x68: {  	v0 =	vsel vm0, v0, v1  }
0x69: {  	v0 =	vmul.f32 $1.442695020e+00, v0;
	_ =	sdelay $0x1  }
0x6a: {  	(erf) = vpow2.f32 v0;
	_ =	sdelay $0x2  }
0x6b: {  	v0 =	vld [tilespmem:$0x8F10]  }
0x6c: {  	v1 =	vld [tilespmem:$0x9010];
	_ =	sdelay $0x4  }
0x6d: {  	v2 =	vpop (erf)  }
0x6e: {  	[tilespmem:$0x9100] =	vst v2  }
0x6f: {  	v0 =	vld.idx.msk [tilespmem:v0+s4+$0x0], $0xffff  }
0x70: {  	v1 =	vld.idx.msk [tilespmem:v1+s25+$0x0], $0xffff;
	_ =	sdelay $0x4  }
0x71: {  	v0 =	vadd.f32 v1, v0;
	_ =	sdelay $0x1  }
0x72: {  	v1 =	vmul.f32 $2.000000030e-01, v0  }
0x73: {  	vm13 =	vge.f32 v0, $0.0e+00  }
0x74: {  	v0 =	vsel vm13, v0, v1  }
0x75: {  	v0 =	vmul.f32 $1.442695020e+00, v0;
	_ =	sdelay $0x1  }
0x76: {  	(erf) = vpow2.f32 v0;
	_ =	sdelay $0x2  }
0x77: {  	v0 =	vld [tilespmem:$0x8F20]  }
0x78: {  	v1 =	vld [tilespmem:$0x9020];
	_ =	sdelay $0x4  }
0x79: {  	v2 =	vpop (erf)  }
0x7a: {  	[tilespmem:$0x9110] =	vst v2  }
0x7b: {  	v0 =	vld.idx.msk [tilespmem:v0+s4+$0x0], $0xffff  }
0x7c: {  	v1 =	vld.idx.msk [tilespmem:v1+s25+$0x0], $0xffff;
	_ =	sdelay $0x4  }
0x7d: {  	v0 =	vadd.f32 v1, v0;
	_ =	sdelay $0x1  }
0x7e: {  	v1 =	vmul.f32 $2.000000030e-01, v0  }
0x7f: {  	vm14 =	vge.f32 v0, $0.0e+00  }
0x80: {  	v0 =	vsel vm14, v0, v1  }
0x81: {  	v0 =	vmul.f32 $1.442695020e+00, v0;
	_ =	sdelay $0x1  }
0x82: {  	(erf) = vpow2.f32 v0;
	_ =	sdelay $0x2  }
0x83: {  	v0 =	vld [tilespmem:$0x8F30]  }
0x84: {  	v1 =	vld [tilespmem:$0x9030];
	_ =	sdelay $0x4  }
0x85: {  	v2 =	vpop (erf)  }
0x86: {  	[tilespmem:$0x9120] =	vst v2  }
0x87: {  	v0 =	vld.idx.msk [tilespmem:v0+s4+$0x0], $0xffff  }
0x88: {  	v1 =	vld.idx.msk [tilespmem:v1+s25+$0x0], $0xffff;
	_ =	sdelay $0x4  }
0x89: {  	v0 =	vadd.f32 v1, v0;
	_ =	sdelay $0x1  }
0x8a: {  	v1 =	vmul.f32 $2.000000030e-01, v0  }
0x8b: {  	vm15 =	vge.f32 v0, $0.0e+00  }
0x8c: {  	v0 =	vsel vm15, v0, v1  }
0x8d: {  	v0 =	vmul.f32 $1.442695020e+00, v0;
	_ =	sdelay $0x1  }
0x8e: {  	(erf) = vpow2.f32 v0;
	_ =	sdelay $0x8  }
0x8f: {  	v0 =	vpop (erf)  }
0x90: {  	s1 =	sshll.u32 s24, $0x1;
	[tilespmem:$0x9130] =	vst v0  }
0x91: {  	p1 =	seq.s32 s24, $0x4F;
	s23 =	sadd.s32 $0x2, s1;
	_ =	swait.ge [sflag:s15], $0x2000  }
0x92: {  	s6 =	sadd.s32 @!p1 s17, s23;
	[sflag:s15] =	ssyncset.done $0x0  }
0x93: {  	s6 =	sshll.u32 @!p1 s6, $0x3;
	[sflag:s15] =	ssyncadd.s32 $0xFFFFE000  }
0x94: {  	s26 =	simm.s32 @!p1 $0x0;
	s6 =	sand.u32 @!p1 $0x1FFFFFF0, s6;
	s7 =	rddreg [dreg:$0x0]  }
0x95: {  	s29 =	simm.s32 @!p1 $0x8F00;
	s6 =	sadd.s32 @!p1 s7, s6;
	s7 =	simm.s32 $0x0  }
0x96: {  	[tilespmem:s29], [sflag:$0x3] =	stream.linear.gather @!p1 [hbm4b:s6+s26], $0x40, $0x38;
	v0 =	vmov s7;
	[tilespmem:$0x1D078] =	vst v63  }
0x97: {  	s26 =	simm.s32 $0x4F40  }
0x98: {  	v4 =	vld [tilespmem:s26+$0x30]  }
0x99: {  	v7 =	vld [tilespmem:s26+$0x10]  }
0x9a: {  	v5 =	vld [tilespmem:s26+$0xFFFFFFC0]  }
0x9b: {  	v1 =	vld.idx.msk [tilespmem:v0+s16+$0x0], $0xffff  }
0x9c: {  	v9 =	vld [tilespmem:s26+$0xFFFFFFE0]  }
0x9d: {  	v2 =	vld [tilespmem:s26+$0x20]  }
0x9e: {  	v3 =	vld [tilespmem:s26+$0xFFFFFFD0]  }
0x9f: {  	v0 =	vld [tilespmem:s26+$0xFFFFFFF0]  }
0xa0: {  	v8 =	vmul.f32 v4, v1;
	v4 =	vld [tilespmem:s26+$0x0]  }
0xa1: {  	v6 =	vmul.f32 v5, v1  }
0xa2: {  	s29 =	simm.s32 $0x1;
	s6 =	simm.s32 $0x4F40;
	v5 =	vmul.f32 v9, v1;
	v7 =	vmul.f32 v7, v1  }
.LBB2_3:
0xa3: {  	p2 =	sne.s32 s29, $0x3F  }
0xa4: {  	v3 =	vmul.f32 v3, v1;
	v2 =	vmul.f32 v2, v1;
	[tilespmem:s26+$0x30] =	vst v8;
	s6 =	sadd.s32 $0x80, s6;
	s7 =	smov.u32 s29;
	s29 =	sadd.s32 $0x1, s29  }
0xa5: {  	[tilespmem:s26+$0xFFFFFFC0] =	vst v6;
	v6 =	vmul.f32 v0, v1;
	v1 =	vmul.f32 v4, v1  }
0xa6: {  	[tilespmem:s26+$0x10] =	vst v7  }
0xa7: {  	v4 =	vmov s7;
	[tilespmem:s26+$0xFFFFFFE0] =	vst v5  }
0xa8: {  	v0 =	vld [tilespmem:s6+$0xFFFFFFF0];
	[tilespmem:s26+$0xFFFFFFF0] =	vst v6  }
0xa9: {  	v5 =	vld [tilespmem:s6+$0x30];
	[tilespmem:s26+$0x0] =	vst v1  }
0xaa: {  	v7 =	vld [tilespmem:s6+$0x10];
	[tilespmem:s26+$0x20] =	vst v2  }
0xab: {  	v6 =	vld [tilespmem:s6+$0xFFFFFFC0];
	[tilespmem:s26+$0xFFFFFFD0] =	vst v3;
	s26 =	smov.u32 s6  }
0xac: {  	v1 =	vld.idx.msk [tilespmem:v4+s16+$0x0], $0xffff  }
0xad: {  	v9 =	vld [tilespmem:s6+$0xFFFFFFE0]  }
0xae: {  	v2 =	vld [tilespmem:s6+$0x20]  }
.Ltmp2:
0xaf: {  	v3 =	vld [tilespmem:s6+$0xFFFFFFD0];
	(pc) =	sbr.rel @p2 .LBB2_3-.Ltmp2, $3  }
0xb0: {  	v4 =	vld [tilespmem:s6+$0x0];
	_ =	sdelay $0x1  }
0xb1: {  	v6 =	vmul.f32 v6, v1;
	v8 =	vmul.f32 v5, v1  }
0xb2: {  	v7 =	vmul.f32 v7, v1;
	v5 =	vmul.f32 v9, v1  }
0xb3: {  	[tilespmem:s26+$0x30] =	vst v8  }
0xb4: {  	[tilespmem:s26+$0xFFFFFFC0] =	vst v6  }
0xb5: {  	v0 =	vmul.f32 v0, v1;
	[tilespmem:s26+$0x10] =	vst v7  }
0xb6: {  	v2 =	vmul.f32 v2, v1;
	[tilespmem:s26+$0xFFFFFFE0] =	vst v5  }
0xb7: {  	v4 =	vmul.f32 v4, v1;
	[tilespmem:s26+$0xFFFFFFF0] =	vst v0  }
0xb8: {  	v0 =	vmul.f32 v3, v1;
	[tilespmem:s26+$0x20] =	vst v2  }
0xb9: {  	[tilespmem:s26+$0x0] =	vst v4  }
0xba: {  	[tilespmem:s26+$0xFFFFFFD0] =	vst v0  }
0xbb: {  	[spmem:s3] =	stream.indirect.scatter.add.f32 [tilespmem:s9], [sflag:$0x7], $0x80, s28, s0, $0xb8;
	[tilespmem:$0x1D078] =	vst v63  }
0xbc: {  	s6 =	rddreg [dreg:$0x3]  }
0xbd: {  	[spmem:s6] =	stream.indirect.scatter.add.f32 [tilespmem:s16], [sflag:$0x9], $0x1, s28, s0, $0xb8;
	[tilespmem:$0x1D078] =	vst v63  }
0xbe: {  	_ =	swait.ge [sflag:s18], $0x40  }
0xbf: {  	[sflag:s18] =	ssyncset.done $0x0  }
0xc0: {  	[sflag:s18] =	ssyncadd.s32 $0xFFFFFFC0  }
0xc1: {  	v0 =	vld [tilespmem:$0x8F80]  }
0xc2: {  	v1 =	vld [tilespmem:$0x9080];
	_ =	sdelay $0x6  }
0xc3: {  	v0 =	vld.idx.msk [tilespmem:v0+s4+$0x0], $0xffff  }
0xc4: {  	v1 =	vld.idx.msk [tilespmem:v1+s25+$0x0], $0xffff;
	_ =	sdelay $0x4  }
0xc5: {  	v0 =	vadd.f32 v1, v0;
	_ =	sdelay $0x1  }
0xc6: {  	v1 =	vmul.f32 $2.000000030e-01, v0  }
0xc7: {  	vm0 =	vge.f32 v0, $0.0e+00  }
0xc8: {  	v0 =	vsel vm0, v0, v1  }
0xc9: {  	v0 =	vmul.f32 $1.442695020e+00, v0;
	_ =	sdelay $0x1  }
0xca: {  	(erf) = vpow2.f32 v0;
	_ =	sdelay $0x2  }
0xcb: {  	v0 =	vld [tilespmem:$0x8F90]  }
0xcc: {  	v1 =	vld [tilespmem:$0x9090];
	_ =	sdelay $0x4  }
0xcd: {  	v2 =	vpop (erf)  }
0xce: {  	[tilespmem:$0x9180] =	vst v2  }
0xcf: {  	v0 =	vld.idx.msk [tilespmem:v0+s4+$0x0], $0xffff  }
0xd0: {  	v1 =	vld.idx.msk [tilespmem:v1+s25+$0x0], $0xffff;
	_ =	sdelay $0x4  }
0xd1: {  	v0 =	vadd.f32 v1, v0;
	_ =	sdelay $0x1  }
0xd2: {  	v1 =	vmul.f32 $2.000000030e-01, v0  }
0xd3: {  	vm13 =	vge.f32 v0, $0.0e+00  }
0xd4: {  	v0 =	vsel vm13, v0, v1  }
0xd5: {  	v0 =	vmul.f32 $1.442695020e+00, v0;
	_ =	sdelay $0x1  }
0xd6: {  	(erf) = vpow2.f32 v0;
	_ =	sdelay $0x2  }
0xd7: {  	v0 =	vld [tilespmem:$0x8FA0]  }
0xd8: {  	v1 =	vld [tilespmem:$0x90A0];
	_ =	sdelay $0x4  }
0xd9: {  	v2 =	vpop (erf)  }
0xda: {  	[tilespmem:$0x9190] =	vst v2  }
0xdb: {  	v0 =	vld.idx.msk [tilespmem:v0+s4+$0x0], $0xffff  }
0xdc: {  	v1 =	vld.idx.msk [tilespmem:v1+s25+$0x0], $0xffff;
	_ =	sdelay $0x4  }
0xdd: {  	v0 =	vadd.f32 v1, v0;
	_ =	sdelay $0x1  }
0xde: {  	v1 =	vmul.f32 $2.000000030e-01, v0  }
0xdf: {  	vm14 =	vge.f32 v0, $0.0e+00  }
0xe0: {  	v0 =	vsel vm14, v0, v1  }
0xe1: {  	v0 =	vmul.f32 $1.442695020e+00, v0;
	_ =	sdelay $0x1  }
0xe2: {  	(erf) = vpow2.f32 v0;
	_ =	sdelay $0x2  }
0xe3: {  	v0 =	vld [tilespmem:$0x8FB0]  }
0xe4: {  	v1 =	vld [tilespmem:$0x90B0];
	_ =	sdelay $0x4  }
0xe5: {  	v2 =	vpop (erf)  }
0xe6: {  	[tilespmem:$0x91A0] =	vst v2  }
0xe7: {  	v0 =	vld.idx.msk [tilespmem:v0+s4+$0x0], $0xffff  }
0xe8: {  	v1 =	vld.idx.msk [tilespmem:v1+s25+$0x0], $0xffff;
	_ =	sdelay $0x4  }
0xe9: {  	v0 =	vadd.f32 v1, v0;
	_ =	sdelay $0x1  }
0xea: {  	v1 =	vmul.f32 $2.000000030e-01, v0  }
0xeb: {  	vm15 =	vge.f32 v0, $0.0e+00  }
0xec: {  	v0 =	vsel vm15, v0, v1  }
0xed: {  	v0 =	vmul.f32 $1.442695020e+00, v0;
	_ =	sdelay $0x1  }
0xee: {  	(erf) = vpow2.f32 v0;
	_ =	sdelay $0x7  }
0xef: {  	s1 =	sadd.s32 $0x3, s1  }
0xf0: {  	s6 =	sadd.s32 @!p1 s17, s1;
	v0 =	vpop (erf)  }
0xf1: {  	s6 =	sshll.u32 @!p1 s6, $0x6;
	[tilespmem:$0x91B0] =	vst v0  }
0xf2: {  	s7 =	simm.s32 @!p1 $0x0;
	s6 =	sadd.s32 @!p1 $0xFFFFFFC0, s6;
	_ =	swait.ge [sflag:s19], $0x2000  }
0xf3: {  	s29 =	simm.s32 $0x0;
	s6 =	sshrl.u32 @!p1 s6, $0x3;
	[sflag:s19] =	ssyncset.done $0x0  }
0xf4: {  	s26 =	simm.s32 @!p1 $0x8F80;
	s6 =	sadd.s32 @!p1 s2, s6;
	[sflag:s19] =	ssyncadd.s32 $0xFFFFE000  }
0xf5: {  	v0 =	vmov s29;
	[tilespmem:s26], [sflag:$0x4] =	stream.linear.gather @!p1 [hbm4b:s6+s7], $0x40, $0x38;
	[tilespmem:$0x1D078] =	vst v63  }
0xf6: {  	s26 =	simm.s32 $0x6F40  }
0xf7: {  	v4 =	vld [tilespmem:s26+$0x30]  }
0xf8: {  	v7 =	vld [tilespmem:s26+$0x10]  }
0xf9: {  	v5 =	vld [tilespmem:s26+$0xFFFFFFC0]  }
0xfa: {  	v1 =	vld.idx.msk [tilespmem:v0+s20+$0x0], $0xffff  }
0xfb: {  	v9 =	vld [tilespmem:s26+$0xFFFFFFE0]  }
0xfc: {  	v0 =	vld [tilespmem:s26+$0xFFFFFFF0]  }
0xfd: {  	v2 =	vld [tilespmem:s26+$0x20]  }
0xfe: {  	v3 =	vld [tilespmem:s26+$0xFFFFFFD0]  }
0xff: {  	v8 =	vmul.f32 v4, v1;
	v4 =	vld [tilespmem:s26+$0x0]  }
0x100: {  	v6 =	vmul.f32 v5, v1  }
0x101: {  	s29 =	simm.s32 $0x1;
	s6 =	simm.s32 $0x6F40;
	v5 =	vmul.f32 v9, v1;
	v7 =	vmul.f32 v7, v1  }
.LBB2_5:
0x102: {  	p2 =	sne.s32 s29, $0x3F  }
0x103: {  	v3 =	vmul.f32 v3, v1;
	v2 =	vmul.f32 v2, v1;
	[tilespmem:s26+$0x30] =	vst v8;
	s6 =	sadd.s32 $0x80, s6;
	s7 =	smov.u32 s29;
	s29 =	sadd.s32 $0x1, s29  }
0x104: {  	[tilespmem:s26+$0xFFFFFFC0] =	vst v6;
	v6 =	vmul.f32 v0, v1;
	v1 =	vmul.f32 v4, v1  }
0x105: {  	[tilespmem:s26+$0x10] =	vst v7  }
0x106: {  	v4 =	vmov s7;
	[tilespmem:s26+$0xFFFFFFE0] =	vst v5  }
0x107: {  	v0 =	vld [tilespmem:s6+$0xFFFFFFF0];
	[tilespmem:s26+$0xFFFFFFF0] =	vst v6  }
0x108: {  	v5 =	vld [tilespmem:s6+$0x30];
	[tilespmem:s26+$0x0] =	vst v1  }
0x109: {  	v7 =	vld [tilespmem:s6+$0x10];
	[tilespmem:s26+$0x20] =	vst v2  }
0x10a: {  	v6 =	vld [tilespmem:s6+$0xFFFFFFC0];
	[tilespmem:s26+$0xFFFFFFD0] =	vst v3;
	s26 =	smov.u32 s6  }
0x10b: {  	v1 =	vld.idx.msk [tilespmem:v4+s20+$0x0], $0xffff  }
0x10c: {  	v9 =	vld [tilespmem:s6+$0xFFFFFFE0]  }
0x10d: {  	v2 =	vld [tilespmem:s6+$0x20]  }
.Ltmp3:
0x10e: {  	v3 =	vld [tilespmem:s6+$0xFFFFFFD0];
	(pc) =	sbr.rel @p2 .LBB2_5-.Ltmp3, $3  }
0x10f: {  	v4 =	vld [tilespmem:s6+$0x0];
	_ =	sdelay $0x1  }
0x110: {  	v6 =	vmul.f32 v6, v1;
	v8 =	vmul.f32 v5, v1  }
0x111: {  	v7 =	vmul.f32 v7, v1;
	v5 =	vmul.f32 v9, v1  }
0x112: {  	[tilespmem:s26+$0x30] =	vst v8  }
0x113: {  	[tilespmem:s26+$0xFFFFFFC0] =	vst v6  }
0x114: {  	v0 =	vmul.f32 v0, v1;
	[tilespmem:s26+$0x10] =	vst v7  }
0x115: {  	v2 =	vmul.f32 v2, v1;
	[tilespmem:s26+$0xFFFFFFE0] =	vst v5  }
0x116: {  	v63 =	vmul.f32 v3, v1;
	[tilespmem:s26+$0xFFFFFFF0] =	vst v0  }
0x117: {  	v4 =	vmul.f32 v4, v1;
	[tilespmem:s26+$0x20] =	vst v2  }
0x118: {  	[tilespmem:s26+$0xFFFFFFD0] =	vst v63  }
0x119: {  	[tilespmem:s26+$0x0] =	vst v4  }
0x11a: {  	[spmem:s3] =	stream.indirect.scatter.add.f32 [tilespmem:s11], [sflag:$0x8], $0x80, s30, s0, $0xb8;
	[tilespmem:$0x1D078] =	vst v63  }
0x11b: {  	s6 =	rddreg [dreg:$0x3]  }
0x11c: {  	[spmem:s6] =	stream.indirect.scatter.add.f32 [tilespmem:s20], [sflag:$0xA], $0x1, s30, s0, $0xb8;
	[tilespmem:$0x1D078] =	vst v63  }
0x11d: {  	_ =	swait.ge [sflag:s21], $0x2000  }
.Ltmp4:
0x11e: {  	[sflag:s21] =	ssyncset.done $0x0;
	(pc) =	sbr.rel @p1 .LBB2_8-.Ltmp4, $4  }
0x11f: {  	[sflag:s21] =	ssyncadd.s32 $0xFFFFE000  }
0x120: {  	_ =	swait.ge [sflag:s22], $0x40  }
0x121: {  	[sflag:s22] =	ssyncset.done $0x0  }
0x122: {  	[sflag:s22] =	ssyncadd.s32 $0xFFFFFFC0  }
0x123: {  	s6 =	sadd.s32 s17, s23  }
0x124: {  	s6 =	sshll.u32 s6, $0x3  }
0x125: {  	s7 =	rddreg [dreg:$0x5];
	s6 =	sand.u32 $0x1FFFFFF0, s6  }
0x126: {  	s6 =	sadd.s32 s7, s6  }
0x127: {  	[tilespmem:s28], [sflag:$0x5] =	stream.linear.gather [hbm4b:s6+s4], $0x40, $0x38;
	[tilespmem:$0x1D078] =	vst v63  }
0x128: {  	_ =	swait.ge [sflag:s31], $0x40  }
0x129: {  	[sflag:s31] =	ssyncset.done $0x0  }
0x12a: {  	s26 =	simm.s32 $0x8F00;
	[sflag:s31] =	ssyncadd.s32 $0xFFFFFFC0  }
0x12b: {  	[tilespmem:s9], [sflag:$0x1] =	stream.indirect.gather [hbm4b:s8+s0], $0x80, s26, s0, $0xb8;
	[tilespmem:$0x1D078] =	vst v63  }
0x12c: {  	_ =	swait.ge [sflag:s12], $0x2000  }
0x12d: {  	s1 =	sadd.s32 s17, s1;
	[sflag:s12] =	ssyncset.done $0x0  }
0x12e: {  	s1 =	sshll.u32 s1, $0x6;
	[sflag:s12] =	ssyncadd.s32 $0xFFFFE000  }
0x12f: {  	s1 =	sadd.s32 $0xFFFFFFC0, s1;
	_ =	swait.ge [sflag:s13], $0x40  }
0x130: {  	s1 =	sshrl.u32 s1, $0x3;
	[sflag:s13] =	ssyncset.done $0x0  }
0x131: {  	s1 =	sadd.s32 s5, s1;
	[sflag:s13] =	ssyncadd.s32 $0xFFFFFFC0  }
0x132: {  	[tilespmem:s30], [sflag:$0x6] =	stream.linear.gather [hbm4b:s1+s4], $0x40, $0x38;
	[tilespmem:$0x1D078] =	vst v63  }
.Ltmp5:
0x133: {  	_ = 	snop;
	(pc) =	sbr.rel .LBB2_2-.Ltmp5, $4  }
0x134: {  	_ =	swait.ge [sflag:s10], $0x40  }
0x135: {  	[sflag:s10] =	ssyncset.done $0x0  }
0x136: {  	s29 =	simm.s32 $0x8F80;
	s24 =	sadd.s32 $0x1, s24;
	[sflag:s10] =	ssyncadd.s32 $0xFFFFFFC0  }
0x137: {  	[tilespmem:s11], [sflag:$0x2] =	stream.indirect.gather [hbm4b:s8+s0], $0x80, s29, s0, $0xb8;
	[tilespmem:$0x1D078] =	vst v63  }
.LBB2_9:
0x138: {  	_ =	sfence.sel $0x180000  }
0x139: {  	[bflag:$0x0] =	sbarrier.arrive $0xFFFF  }
0x13a: {  	_ =	strace $0x90000047  }
0x13b: {  	[bflag:$0x2] =	sbarrier.arrive $0xFFFF  }
0x13c: {  	s0 =	rddreg [dreg:$0x4]  }
0x13d: {  	s0 =	sadd.s32 @!p0 $0x100000, s0  }
0x13e: {  	[sflag:s0] =	ssyncadd.tile.s32 @!p0 $0x1;
	_ =	shalt  }
.Lfunc_end2:
_tile_overlayer_lowered:
.L_overlay_start_2:
0x13f: {  	(tag) =	ssettag $0x2  }
0x140: {  	s0 =	rddreg [dreg:$0x0];
	s2 =	stileid.u32  }
0x141: {  	s1 =	rddreg [dreg:$0x1];
	p0 =	sne.s32 s2, $0x0  }
0x142: {  	s3 =	rddreg [dreg:$0x2];
	[bflag:$0x3] =	sbarrier.arrive $0xFFFF;
	s2 =	simm.s32 @!p0 $0x1C0D  }
0x143: {  	[timem:s3], [sflag:s2] =	dma.local @!p0 [hbm:s0], s1  }
0x144: {  	s0 =	simm.s32 @!p0 $0xD  }
0x145: {  	_ =	swait.ge @!p0 [sflag:s0], s1  }
0x146: {  	s1 =	ssub.s32 @!p0 $0x0, s1;
	[sflag:s0] =	ssyncset.done @!p0 $0x0  }
0x147: {  	[sflag:s0] =	ssyncadd.s32 @!p0 s1  }
0x148: {  	[bflag:$0x3] =	sbarrier.arrive $0xFFFF  }
0x149: {  	_ =	shalt  }

</sc_bundles>
